<compile_context>
chip_gen: v7x
topology: tpu7x:2x2x1
jax: 0.10.2.dev20260603
libtpu: 0.0.44.dev20260713+nightly
codegen_flags: <defaults>
</compile_context>

<pallas_src>
import functools

import jax
import jax.numpy as jnp
from jax import lax
from jax.experimental import pallas as pl
from jax.experimental.pallas import tpu as pltpu
from jax.experimental.pallas import tpu_sc as plsc

_ROWS = 128
_LANES = 16


def _sc_lookup(tokens, table_flat, B, C, T, V, D):
    t_half = T // 2
    n_flat = t_half * C
    n_it = n_flat // _ROWS

    mesh = plsc.VectorSubcoreMesh(core_axis_name="c", subcore_axis_name="s")

    @functools.partial(
        pl.kernel,
        mesh=mesh,
        out_type=jax.ShapeDtypeStruct((B, 2, n_flat, D), jnp.float32),
        scratch_types=[
            pltpu.VMEM((C, t_half), jnp.int32),
            pltpu.VMEM((n_flat,), jnp.int32),
            pltpu.VMEM((6, _ROWS, D), jnp.float32),
            pltpu.SemaphoreType.DMA,
            pltpu.SemaphoreType.DMA,
            pltpu.SemaphoreType.DMA,
            pltpu.SemaphoreType.DMA,
            pltpu.SemaphoreType.DMA,
            pltpu.SemaphoreType.DMA,
            pltpu.SemaphoreType.DMA,
            pltpu.SemaphoreType.DMA,
            pltpu.SemaphoreType.DMA,
            pltpu.SemaphoreType.DMA,
            pltpu.SemaphoreType.DMA,
            pltpu.SemaphoreType.DMA,
        ],
        compiler_params=pltpu.CompilerParams(
            use_tc_tiling_on_sc=False, needs_layout_passes=False
        ),
    )
    def body(
        tokens_hbm, table_hbm, out_hbm, raw_v, idx_v, rows_v,
        g0, g1, g2, g3, g4, g5, w0, w1, w2, w3, w4, w5,
    ):
        b = lax.axis_index("s")
        half = lax.axis_index("c")
        g_sem = (g0, g1, g2, g3, g4, g5)
        w_sem = (w0, w1, w2, w3, w4, w5)

        pltpu.sync_copy(tokens_hbm.at[b, :, pl.ds(half * t_half, t_half)], raw_v)
        lane = lax.broadcasted_iota(jnp.int32, (_LANES,), 0)

        n_tb = t_half // _LANES
        lane_c = lane * C

        def transpose_fold(tb, carry):
            t0 = tb * _LANES
            base = lane_c + t0 * C
            for i in range(C):
                vals = raw_v[i, pl.ds(t0, _LANES)] + i * V
                plsc.store_scatter(idx_v, [base + i], vals)
            return carry

        lax.fori_loop(0, n_tb, transpose_fold, 0)

        def gather(it, p):
            return pltpu.make_async_copy(
                table_hbm.at[idx_v.at[pl.ds(it * _ROWS, _ROWS)]],
                rows_v.at[p],
                g_sem[p],
            )

        def write(it, p):
            return pltpu.make_async_copy(
                rows_v.at[p],
                out_hbm.at[b, half, pl.ds(it * _ROWS, _ROWS)],
                w_sem[p],
            )

        _DEPTH = 6

        def stage(it, p, q):
            @pl.when(it >= 1)
            def _():
                write(it - 1, q).wait()

            @pl.when(it + _DEPTH - 1 < n_it)
            def _():
                gather(it + _DEPTH - 1, q).start()

            gather(it, p).wait()
            write(it, p).start()

        for k in range(_DEPTH - 1):
            gather(k, k).start()

        def rounds(itd, carry):
            for r in range(_DEPTH):
                stage(_DEPTH * itd + r, r, (r + _DEPTH - 1) % _DEPTH)
            return carry

        n_rounds = n_it // _DEPTH
        lax.fori_loop(0, n_rounds, rounds, 0)
        for it in range(n_rounds * _DEPTH, n_it):
            stage(it, it % _DEPTH, (it + _DEPTH - 1) % _DEPTH)
        write(n_it - 1, (n_it - 1) % _DEPTH).wait()

    return body(tokens, table_flat)


def kernel(tokens, tables):
    B, C, T = tokens.shape
    C2, V, D = tables.shape
    assert C == C2
    table_flat = tables.reshape(C * V, D)
    out = _sc_lookup(tokens.astype(jnp.int32), table_flat, B, C, T, V, D)
    return out.reshape(B, T, C * D)

# --- scband reference (transcript-rebuilt; emitter-appended) ---
"""Pipeline reference for scband-audio-tokenizer-91010357002447 (READ-ONLY COPY).

The authoritative reference and input builder live on the scoring server;
editing this copy changes nothing except your own understanding.
"""

import jax, jax.numpy as jnp
import numpy as np

NUM_CODEBOOKS = 32
VOCAB_SIZE = 1024
EMBED_DIM = 2048
PER_CB_DIM = EMBED_DIM // NUM_CODEBOOKS
B, T = 16, 2048


def setup_inputs(seed: int = 0) -> dict:
    key = jax.random.key(seed)
    k_tok, k_tab = jax.random.split(key)
    tokens = jax.random.randint(k_tok, (B, NUM_CODEBOOKS, T), 0, VOCAB_SIZE, dtype=jnp.int64 if jax.config.jax_enable_x64 else jnp.int32)
    tables = jax.random.normal(k_tab, (NUM_CODEBOOKS, VOCAB_SIZE, PER_CB_DIM), dtype=jnp.float32) * 0.02
    return {"tokens": tokens, "tables": tables}


def reference(tokens, tables):
    # Faithful translation of AudioTokenizer.forward:
    # per-codebook embedding lookup, then concat along feature dim.
    Bc, C, Tc = tokens.shape
    assert C == NUM_CODEBOOKS
    embeddings = []
    for i in range(NUM_CODEBOOKS):
        emb = jnp.take(tables[i], tokens[:, i, :], axis=0)  # [B, T, PER_CB_DIM]
        embeddings.append(emb)
    combined = jnp.concatenate(embeddings, axis=-1)  # [B, T, EMBED_DIM]
    return combined

if __name__ == "__main__":
    import jax
    _d = setup_inputs()
    print(jax.jit(kernel)(*tuple(_d.values())))

</pallas_src>

<mosaic_0001>
#map = affine_map<(d0, d1) -> (0, 0, 0)>
#map1 = affine_map<(d0, d1) -> (0, 0)>
#map2 = affine_map<(d0, d1) -> (0, 0, 0, 0)>
module attributes {stable_mosaic.version = 14 : i64} {
  func.func @body(%arg0: i32, %arg1: i32, %arg2: memref<16x32x2048xi32, #tpu.memory_space<hbm>>, %arg3: memref<32768x64xf32, #tpu.memory_space<hbm>>, %arg4: memref<16x2x32768x64xf32, #tpu.memory_space<hbm>>, %arg5: memref<32x1024xi32, #tpu.memory_space<vmem>>, %arg6: memref<32768xi32, #tpu.memory_space<vmem>>, %arg7: memref<6x128x64xf32, #tpu.memory_space<vmem>>, %arg8: memref<!tpu.dma_semaphore, #tpu.memory_space<semaphore_mem>>, %arg9: memref<!tpu.dma_semaphore, #tpu.memory_space<semaphore_mem>>, %arg10: memref<!tpu.dma_semaphore, #tpu.memory_space<semaphore_mem>>, %arg11: memref<!tpu.dma_semaphore, #tpu.memory_space<semaphore_mem>>, %arg12: memref<!tpu.dma_semaphore, #tpu.memory_space<semaphore_mem>>, %arg13: memref<!tpu.dma_semaphore, #tpu.memory_space<semaphore_mem>>, %arg14: memref<!tpu.dma_semaphore, #tpu.memory_space<semaphore_mem>>, %arg15: memref<!tpu.dma_semaphore, #tpu.memory_space<semaphore_mem>>, %arg16: memref<!tpu.dma_semaphore, #tpu.memory_space<semaphore_mem>>, %arg17: memref<!tpu.dma_semaphore, #tpu.memory_space<semaphore_mem>>, %arg18: memref<!tpu.dma_semaphore, #tpu.memory_space<semaphore_mem>>, %arg19: memref<!tpu.dma_semaphore, #tpu.memory_space<semaphore_mem>>) attributes {dimension_semantics = [#tpu.dimension_semantics<core_parallel>, #tpu.dimension_semantics<subcore_parallel>], iteration_bounds = array<i64: 2, 16>, scalar_prefetch = 0 : i64, scratch_operands = 15 : i64, tpu.core_type = #tpu.core_type<sc_vector_subcore>, window_params = [{transform_indices = #map}, {transform_indices = #map1}, {transform_indices = #map2}]} {
    %mul3A = arith.constant 1024 : i32
    %mul3A_0 = arith.muli %arg0, %mul3A : i32
    "tpu.region"() ({
      %run_scoped3A = tpu.sem_alloc : memref<!tpu.dma_semaphore, #tpu.memory_space<semaphore_mem>>
      %dma_start3A_256 = arith.constant 0 : i32
      %dma_start3A_257 = tpu.memref_slice %arg2[%arg1, %dma_start3A_256, %mul3A_0] : memref<16x32x2048xi32, #tpu.memory_space<hbm>> -> memref<1x32x1024xi32, #tpu.memory_space<hbm>>
      %dma_start3A_258 = tpu.memref_squeeze %dma_start3A_257 : memref<1x32x1024xi32, #tpu.memory_space<hbm>> -> memref<32x1024xi32, #tpu.memory_space<hbm>>
      %dma_start3A_259 = arith.constant 0 : i32
      %dma_start3A_260 = tpu.memref_slice %arg2[%arg1, %dma_start3A_259, %mul3A_0] : memref<16x32x2048xi32, #tpu.memory_space<hbm>> -> memref<1x32x1024xi32, #tpu.memory_space<hbm>>
      %dma_start3A_261 = tpu.memref_squeeze %dma_start3A_260 : memref<1x32x1024xi32, #tpu.memory_space<hbm>> -> memref<32x1024xi32, #tpu.memory_space<hbm>>
      tpu.enqueue_dma source(%dma_start3A_261 : memref<32x1024xi32, #tpu.memory_space<hbm>>) target(%arg5 : memref<32x1024xi32, #tpu.memory_space<vmem>>) target_semaphore(%run_scoped3A : memref<!tpu.dma_semaphore, #tpu.memory_space<semaphore_mem>>)
      %dma_wait3A_262 = arith.constant 0 : i32
      %dma_wait3A_263 = tpu.memref_slice %arg2[%arg1, %dma_wait3A_262, %mul3A_0] : memref<16x32x2048xi32, #tpu.memory_space<hbm>> -> memref<1x32x1024xi32, #tpu.memory_space<hbm>>
      %dma_wait3A_264 = tpu.memref_squeeze %dma_wait3A_263 : memref<1x32x1024xi32, #tpu.memory_space<hbm>> -> memref<32x1024xi32, #tpu.memory_space<hbm>>
      %dma_wait3A_265 = arith.constant 0 : i32
      %dma_wait3A_266 = tpu.memref_slice %arg2[%arg1, %dma_wait3A_265, %mul3A_0] : memref<16x32x2048xi32, #tpu.memory_space<hbm>> -> memref<1x32x1024xi32, #tpu.memory_space<hbm>>
      %dma_wait3A_267 = tpu.memref_squeeze %dma_wait3A_266 : memref<1x32x1024xi32, #tpu.memory_space<hbm>> -> memref<32x1024xi32, #tpu.memory_space<hbm>>
      tpu.wait_dma2 semaphore(%run_scoped3A : memref<!tpu.dma_semaphore, #tpu.memory_space<semaphore_mem>>) src(%dma_wait3A_267 : memref<32x1024xi32, #tpu.memory_space<hbm>>) dst(%arg5 : memref<32x1024xi32, #tpu.memory_space<vmem>>)
      tpu.yield
    }) : () -> ()
    %iota3A = tpu.iota {dimensions = array<i32: 0>} : vector<16xi32>
    %mul3A_1 = arith.constant 32 : i32
    %mul3A_2 = vector.broadcast %mul3A_1 : i32 to vector<16xi32>
    %mul3A_3 = arith.muli %iota3A, %mul3A_2 : vector<16xi32>
    %scan3A = arith.constant 0 : i32
    %scan3A_4 = arith.constant 0 : i32
    %scan3A_5 = arith.constant 64 : i32
    %scan3A_6 = arith.addi %scan3A_4, %scan3A_5 : i32
    %scan3A_7 = arith.constant 1 : i32
    scf.for %scan3A_256 = %scan3A_4 to %scan3A_6 step %scan3A_7  : i32 {
      %mul3A_257 = arith.constant 16 : i32
      %mul3A_258 = arith.muli %scan3A_256, %mul3A_257 : i32
      %mul3A_259 = arith.constant 32 : i32
      %mul3A_260 = arith.muli %mul3A_258, %mul3A_259 : i32
      %add3A = vector.broadcast %mul3A_260 : i32 to vector<16xi32>
      %add3A_261 = arith.addi %mul3A_3, %add3A : vector<16xi32>
      %get3A = arith.constant 0 : i32
      %get3A_262 = arith.index_cast %get3A : i32 to index
      %get3A_263 = arith.index_cast %mul3A_258 : i32 to index
      %get3A_264 = tpu.vector_load %arg5[%get3A_262, %get3A_263] {strides = array<i32>} : memref<32x1024xi32, #tpu.memory_space<vmem>>, vector<16xi32>,
      %add3A_265 = arith.constant 0 : i32
      %add3A_266 = vector.broadcast %add3A_265 : i32 to vector<16xi32>
      %add3A_267 = arith.addi %get3A_264, %add3A_266 : vector<16xi32>
      %add3A_268 = arith.constant 0 : i32
      %add3A_269 = vector.broadcast %add3A_268 : i32 to vector<16xi32>
      %add3A_270 = arith.addi %add3A_261, %add3A_269 : vector<16xi32>
      tpu.vector_store_idx %arg6[%add3A_270], %add3A_267 : memref<32768xi32, #tpu.memory_space<vmem>>[vector<16xi32>], vector<16xi32>,
      %get3A_271 = arith.constant 1 : i32
      %get3A_272 = arith.index_cast %get3A_271 : i32 to index
      %get3A_273 = arith.index_cast %mul3A_258 : i32 to index
      %get3A_274 = tpu.vector_load %arg5[%get3A_272, %get3A_273] {strides = array<i32>} : memref<32x1024xi32, #tpu.memory_space<vmem>>, vector<16xi32>,
      %add3A_275 = arith.constant 1024 : i32
      %add3A_276 = vector.broadcast %add3A_275 : i32 to vector<16xi32>
      %add3A_277 = arith.addi %get3A_274, %add3A_276 : vector<16xi32>
      %add3A_278 = arith.constant 1 : i32
      %add3A_279 = vector.broadcast %add3A_278 : i32 to vector<16xi32>
      %add3A_280 = arith.addi %add3A_261, %add3A_279 : vector<16xi32>
      tpu.vector_store_idx %arg6[%add3A_280], %add3A_277 : memref<32768xi32, #tpu.memory_space<vmem>>[vector<16xi32>], vector<16xi32>,
      %get3A_281 = arith.constant 2 : i32
      %get3A_282 = arith.index_cast %get3A_281 : i32 to index
      %get3A_283 = arith.index_cast %mul3A_258 : i32 to index
      %get3A_284 = tpu.vector_load %arg5[%get3A_282, %get3A_283] {strides = array<i32>} : memref<32x1024xi32, #tpu.memory_space<vmem>>, vector<16xi32>,
      %add3A_285 = arith.constant 2048 : i32
      %add3A_286 = vector.broadcast %add3A_285 : i32 to vector<16xi32>
      %add3A_287 = arith.addi %get3A_284, %add3A_286 : vector<16xi32>
      %add3A_288 = arith.constant 2 : i32
      %add3A_289 = vector.broadcast %add3A_288 : i32 to vector<16xi32>
      %add3A_290 = arith.addi %add3A_261, %add3A_289 : vector<16xi32>
      tpu.vector_store_idx %arg6[%add3A_290], %add3A_287 : memref<32768xi32, #tpu.memory_space<vmem>>[vector<16xi32>], vector<16xi32>,
      %get3A_291 = arith.constant 3 : i32
      %get3A_292 = arith.index_cast %get3A_291 : i32 to index
      %get3A_293 = arith.index_cast %mul3A_258 : i32 to index
      %get3A_294 = tpu.vector_load %arg5[%get3A_292, %get3A_293] {strides = array<i32>} : memref<32x1024xi32, #tpu.memory_space<vmem>>, vector<16xi32>,
      %add3A_295 = arith.constant 3072 : i32
      %add3A_296 = vector.broadcast %add3A_295 : i32 to vector<16xi32>
      %add3A_297 = arith.addi %get3A_294, %add3A_296 : vector<16xi32>
      %add3A_298 = arith.constant 3 : i32
      %add3A_299 = vector.broadcast %add3A_298 : i32 to vector<16xi32>
      %add3A_300 = arith.addi %add3A_261, %add3A_299 : vector<16xi32>
      tpu.vector_store_idx %arg6[%add3A_300], %add3A_297 : memref<32768xi32, #tpu.memory_space<vmem>>[vector<16xi32>], vector<16xi32>,
      %get3A_301 = arith.constant 4 : i32
      %get3A_302 = arith.index_cast %get3A_301 : i32 to index
      %get3A_303 = arith.index_cast %mul3A_258 : i32 to index
      %get3A_304 = tpu.vector_load %arg5[%get3A_302, %get3A_303] {strides = array<i32>} : memref<32x1024xi32, #tpu.memory_space<vmem>>, vector<16xi32>,
      %add3A_305 = arith.constant 4096 : i32
      %add3A_306 = vector.broadcast %add3A_305 : i32 to vector<16xi32>
      %add3A_307 = arith.addi %get3A_304, %add3A_306 : vector<16xi32>
      %add3A_308 = arith.constant 4 : i32
      %add3A_309 = vector.broadcast %add3A_308 : i32 to vector<16xi32>
      %add3A_310 = arith.addi %add3A_261, %add3A_309 : vector<16xi32>
      tpu.vector_store_idx %arg6[%add3A_310], %add3A_307 : memref<32768xi32, #tpu.memory_space<vmem>>[vector<16xi32>], vector<16xi32>,
      %get3A_311 = arith.constant 5 : i32
      %get3A_312 = arith.index_cast %get3A_311 : i32 to index
      %get3A_313 = arith.index_cast %mul3A_258 : i32 to index
      %get3A_314 = tpu.vector_load %arg5[%get3A_312, %get3A_313] {strides = array<i32>} : memref<32x1024xi32, #tpu.memory_space<vmem>>, vector<16xi32>,
      %add3A_315 = arith.constant 5120 : i32
      %add3A_316 = vector.broadcast %add3A_315 : i32 to vector<16xi32>
      %add3A_317 = arith.addi %get3A_314, %add3A_316 : vector<16xi32>
      %add3A_318 = arith.constant 5 : i32
      %add3A_319 = vector.broadcast %add3A_318 : i32 to vector<16xi32>
      %add3A_320 = arith.addi %add3A_261, %add3A_319 : vector<16xi32>
      tpu.vector_store_idx %arg6[%add3A_320], %add3A_317 : memref<32768xi32, #tpu.memory_space<vmem>>[vector<16xi32>], vector<16xi32>,
      %get3A_321 = arith.constant 6 : i32
      %get3A_322 = arith.index_cast %get3A_321 : i32 to index
      %get3A_323 = arith.index_cast %mul3A_258 : i32 to index
      %get3A_324 = tpu.vector_load %arg5[%get3A_322, %get3A_323] {strides = array<i32>} : memref<32x1024xi32, #tpu.memory_space<vmem>>, vector<16xi32>,
      %add3A_325 = arith.constant 6144 : i32
      %add3A_326 = vector.broadcast %add3A_325 : i32 to vector<16xi32>
      %add3A_327 = arith.addi %get3A_324, %add3A_326 : vector<16xi32>
      %add3A_328 = arith.constant 6 : i32
      %add3A_329 = vector.broadcast %add3A_328 : i32 to vector<16xi32>
      %add3A_330 = arith.addi %add3A_261, %add3A_329 : vector<16xi32>
      tpu.vector_store_idx %arg6[%add3A_330], %add3A_327 : memref<32768xi32, #tpu.memory_space<vmem>>[vector<16xi32>], vector<16xi32>,
      %get3A_331 = arith.constant 7 : i32
      %get3A_332 = arith.index_cast %get3A_331 : i32 to index
      %get3A_333 = arith.index_cast %mul3A_258 : i32 to index
      %get3A_334 = tpu.vector_load %arg5[%get3A_332, %get3A_333] {strides = array<i32>} : memref<32x1024xi32, #tpu.memory_space<vmem>>, vector<16xi32>,
      %add3A_335 = arith.constant 7168 : i32
      %add3A_336 = vector.broadcast %add3A_335 : i32 to vector<16xi32>
      %add3A_337 = arith.addi %get3A_334, %add3A_336 : vector<16xi32>
      %add3A_338 = arith.constant 7 : i32
      %add3A_339 = vector.broadcast %add3A_338 : i32 to vector<16xi32>
      %add3A_340 = arith.addi %add3A_261, %add3A_339 : vector<16xi32>
      tpu.vector_store_idx %arg6[%add3A_340], %add3A_337 : memref<32768xi32, #tpu.memory_space<vmem>>[vector<16xi32>], vector<16xi32>,
      %get3A_341 = arith.constant 8 : i32
      %get3A_342 = arith.index_cast %get3A_341 : i32 to index
      %get3A_343 = arith.index_cast %mul3A_258 : i32 to index
      %get3A_344 = tpu.vector_load %arg5[%get3A_342, %get3A_343] {strides = array<i32>} : memref<32x1024xi32, #tpu.memory_space<vmem>>, vector<16xi32>,
      %add3A_345 = arith.constant 8192 : i32
      %add3A_346 = vector.broadcast %add3A_345 : i32 to vector<16xi32>
      %add3A_347 = arith.addi %get3A_344, %add3A_346 : vector<16xi32>
      %add3A_348 = arith.constant 8 : i32
      %add3A_349 = vector.broadcast %add3A_348 : i32 to vector<16xi32>
      %add3A_350 = arith.addi %add3A_261, %add3A_349 : vector<16xi32>
      tpu.vector_store_idx %arg6[%add3A_350], %add3A_347 : memref<32768xi32, #tpu.memory_space<vmem>>[vector<16xi32>], vector<16xi32>,
      %get3A_351 = arith.constant 9 : i32
      %get3A_352 = arith.index_cast %get3A_351 : i32 to index
      %get3A_353 = arith.index_cast %mul3A_258 : i32 to index
      %get3A_354 = tpu.vector_load %arg5[%get3A_352, %get3A_353] {strides = array<i32>} : memref<32x1024xi32, #tpu.memory_space<vmem>>, vector<16xi32>,
      %add3A_355 = arith.constant 9216 : i32
      %add3A_356 = vector.broadcast %add3A_355 : i32 to vector<16xi32>
      %add3A_357 = arith.addi %get3A_354, %add3A_356 : vector<16xi32>
      %add3A_358 = arith.constant 9 : i32
      %add3A_359 = vector.broadcast %add3A_358 : i32 to vector<16xi32>
      %add3A_360 = arith.addi %add3A_261, %add3A_359 : vector<16xi32>
      tpu.vector_store_idx %arg6[%add3A_360], %add3A_357 : memref<32768xi32, #tpu.memory_space<vmem>>[vector<16xi32>], vector<16xi32>,
      %get3A_361 = arith.constant 10 : i32
      %get3A_362 = arith.index_cast %get3A_361 : i32 to index
      %get3A_363 = arith.index_cast %mul3A_258 : i32 to index
      %get3A_364 = tpu.vector_load %arg5[%get3A_362, %get3A_363] {strides = array<i32>} : memref<32x1024xi32, #tpu.memory_space<vmem>>, vector<16xi32>,
      %add3A_365 = arith.constant 10240 : i32
      %add3A_366 = vector.broadcast %add3A_365 : i32 to vector<16xi32>
      %add3A_367 = arith.addi %get3A_364, %add3A_366 : vector<16xi32>
      %add3A_368 = arith.constant 10 : i32
      %add3A_369 = vector.broadcast %add3A_368 : i32 to vector<16xi32>
      %add3A_370 = arith.addi %add3A_261, %add3A_369 : vector<16xi32>
      tpu.vector_store_idx %arg6[%add3A_370], %add3A_367 : memref<32768xi32, #tpu.memory_space<vmem>>[vector<16xi32>], vector<16xi32>,
      %get3A_371 = arith.constant 11 : i32
      %get3A_372 = arith.index_cast %get3A_371 : i32 to index
      %get3A_373 = arith.index_cast %mul3A_258 : i32 to index
      %get3A_374 = tpu.vector_load %arg5[%get3A_372, %get3A_373] {strides = array<i32>} : memref<32x1024xi32, #tpu.memory_space<vmem>>, vector<16xi32>,
      %add3A_375 = arith.constant 11264 : i32
      %add3A_376 = vector.broadcast %add3A_375 : i32 to vector<16xi32>
      %add3A_377 = arith.addi %get3A_374, %add3A_376 : vector<16xi32>
      %add3A_378 = arith.constant 11 : i32
      %add3A_379 = vector.broadcast %add3A_378 : i32 to vector<16xi32>
      %add3A_380 = arith.addi %add3A_261, %add3A_379 : vector<16xi32>
      tpu.vector_store_idx %arg6[%add3A_380], %add3A_377 : memref<32768xi32, #tpu.memory_space<vmem>>[vector<16xi32>], vector<16xi32>,
      %get3A_381 = arith.constant 12 : i32
      %get3A_382 = arith.index_cast %get3A_381 : i32 to index
      %get3A_383 = arith.index_cast %mul3A_258 : i32 to index
      %get3A_384 = tpu.vector_load %arg5[%get3A_382, %get3A_383] {strides = array<i32>} : memref<32x1024xi32, #tpu.memory_space<vmem>>, vector<16xi32>,
      %add3A_385 = arith.constant 12288 : i32
      %add3A_386 = vector.broadcast %add3A_385 : i32 to vector<16xi32>
      %add3A_387 = arith.addi %get3A_384, %add3A_386 : vector<16xi32>
      %add3A_388 = arith.constant 12 : i32
      %add3A_389 = vector.broadcast %add3A_388 : i32 to vector<16xi32>
      %add3A_390 = arith.addi %add3A_261, %add3A_389 : vector<16xi32>
      tpu.vector_store_idx %arg6[%add3A_390], %add3A_387 : memref<32768xi32, #tpu.memory_space<vmem>>[vector<16xi32>], vector<16xi32>,
      %get3A_391 = arith.constant 13 : i32
      %get3A_392 = arith.index_cast %get3A_391 : i32 to index
      %get3A_393 = arith.index_cast %mul3A_258 : i32 to index
      %get3A_394 = tpu.vector_load %arg5[%get3A_392, %get3A_393] {strides = array<i32>} : memref<32x1024xi32, #tpu.memory_space<vmem>>, vector<16xi32>,
      %add3A_395 = arith.constant 13312 : i32
      %add3A_396 = vector.broadcast %add3A_395 : i32 to vector<16xi32>
      %add3A_397 = arith.addi %get3A_394, %add3A_396 : vector<16xi32>
      %add3A_398 = arith.constant 13 : i32
      %add3A_399 = vector.broadcast %add3A_398 : i32 to vector<16xi32>
      %add3A_400 = arith.addi %add3A_261, %add3A_399 : vector<16xi32>
      tpu.vector_store_idx %arg6[%add3A_400], %add3A_397 : memref<32768xi32, #tpu.memory_space<vmem>>[vector<16xi32>], vector<16xi32>,
      %get3A_401 = arith.constant 14 : i32
      %get3A_402 = arith.index_cast %get3A_401 : i32 to index
      %get3A_403 = arith.index_cast %mul3A_258 : i32 to index
      %get3A_404 = tpu.vector_load %arg5[%get3A_402, %get3A_403] {strides = array<i32>} : memref<32x1024xi32, #tpu.memory_space<vmem>>, vector<16xi32>,
      %add3A_405 = arith.constant 14336 : i32
      %add3A_406 = vector.broadcast %add3A_405 : i32 to vector<16xi32>
      %add3A_407 = arith.addi %get3A_404, %add3A_406 : vector<16xi32>
      %add3A_408 = arith.constant 14 : i32
      %add3A_409 = vector.broadcast %add3A_408 : i32 to vector<16xi32>
      %add3A_410 = arith.addi %add3A_261, %add3A_409 : vector<16xi32>
      tpu.vector_store_idx %arg6[%add3A_410], %add3A_407 : memref<32768xi32, #tpu.memory_space<vmem>>[vector<16xi32>], vector<16xi32>,
      %get3A_411 = arith.constant 15 : i32
      %get3A_412 = arith.index_cast %get3A_411 : i32 to index
      %get3A_413 = arith.index_cast %mul3A_258 : i32 to index
      %get3A_414 = tpu.vector_load %arg5[%get3A_412, %get3A_413] {strides = array<i32>} : memref<32x1024xi32, #tpu.memory_space<vmem>>, vector<16xi32>,
      %add3A_415 = arith.constant 15360 : i32
      %add3A_416 = vector.broadcast %add3A_415 : i32 to vector<16xi32>
      %add3A_417 = arith.addi %get3A_414, %add3A_416 : vector<16xi32>
      %add3A_418 = arith.constant 15 : i32
      %add3A_419 = vector.broadcast %add3A_418 : i32 to vector<16xi32>
      %add3A_420 = arith.addi %add3A_261, %add3A_419 : vector<16xi32>
      tpu.vector_store_idx %arg6[%add3A_420], %add3A_417 : memref<32768xi32, #tpu.memory_space<vmem>>[vector<16xi32>], vector<16xi32>,
      %get3A_421 = arith.constant 16 : i32
      %get3A_422 = arith.index_cast %get3A_421 : i32 to index
      %get3A_423 = arith.index_cast %mul3A_258 : i32 to index
      %get3A_424 = tpu.vector_load %arg5[%get3A_422, %get3A_423] {strides = array<i32>} : memref<32x1024xi32, #tpu.memory_space<vmem>>, vector<16xi32>,
      %add3A_425 = arith.constant 16384 : i32
      %add3A_426 = vector.broadcast %add3A_425 : i32 to vector<16xi32>
      %add3A_427 = arith.addi %get3A_424, %add3A_426 : vector<16xi32>
      %add3A_428 = arith.constant 16 : i32
      %add3A_429 = vector.broadcast %add3A_428 : i32 to vector<16xi32>
      %add3A_430 = arith.addi %add3A_261, %add3A_429 : vector<16xi32>
      tpu.vector_store_idx %arg6[%add3A_430], %add3A_427 : memref<32768xi32, #tpu.memory_space<vmem>>[vector<16xi32>], vector<16xi32>,
      %get3A_431 = arith.constant 17 : i32
      %get3A_432 = arith.index_cast %get3A_431 : i32 to index
      %get3A_433 = arith.index_cast %mul3A_258 : i32 to index
      %get3A_434 = tpu.vector_load %arg5[%get3A_432, %get3A_433] {strides = array<i32>} : memref<32x1024xi32, #tpu.memory_space<vmem>>, vector<16xi32>,
      %add3A_435 = arith.constant 17408 : i32
      %add3A_436 = vector.broadcast %add3A_435 : i32 to vector<16xi32>
      %add3A_437 = arith.addi %get3A_434, %add3A_436 : vector<16xi32>
      %add3A_438 = arith.constant 17 : i32
      %add3A_439 = vector.broadcast %add3A_438 : i32 to vector<16xi32>
      %add3A_440 = arith.addi %add3A_261, %add3A_439 : vector<16xi32>
      tpu.vector_store_idx %arg6[%add3A_440], %add3A_437 : memref<32768xi32, #tpu.memory_space<vmem>>[vector<16xi32>], vector<16xi32>,
      %get3A_441 = arith.constant 18 : i32
      %get3A_442 = arith.index_cast %get3A_441 : i32 to index
      %get3A_443 = arith.index_cast %mul3A_258 : i32 to index
      %get3A_444 = tpu.vector_load %arg5[%get3A_442, %get3A_443] {strides = array<i32>} : memref<32x1024xi32, #tpu.memory_space<vmem>>, vector<16xi32>,
      %add3A_445 = arith.constant 18432 : i32
      %add3A_446 = vector.broadcast %add3A_445 : i32 to vector<16xi32>
      %add3A_447 = arith.addi %get3A_444, %add3A_446 : vector<16xi32>
      %add3A_448 = arith.constant 18 : i32
      %add3A_449 = vector.broadcast %add3A_448 : i32 to vector<16xi32>
      %add3A_450 = arith.addi %add3A_261, %add3A_449 : vector<16xi32>
      tpu.vector_store_idx %arg6[%add3A_450], %add3A_447 : memref<32768xi32, #tpu.memory_space<vmem>>[vector<16xi32>], vector<16xi32>,
      %get3A_451 = arith.constant 19 : i32
      %get3A_452 = arith.index_cast %get3A_451 : i32 to index
      %get3A_453 = arith.index_cast %mul3A_258 : i32 to index
      %get3A_454 = tpu.vector_load %arg5[%get3A_452, %get3A_453] {strides = array<i32>} : memref<32x1024xi32, #tpu.memory_space<vmem>>, vector<16xi32>,
      %add3A_455 = arith.constant 19456 : i32
      %add3A_456 = vector.broadcast %add3A_455 : i32 to vector<16xi32>
      %add3A_457 = arith.addi %get3A_454, %add3A_456 : vector<16xi32>
      %add3A_458 = arith.constant 19 : i32
      %add3A_459 = vector.broadcast %add3A_458 : i32 to vector<16xi32>
      %add3A_460 = arith.addi %add3A_261, %add3A_459 : vector<16xi32>
      tpu.vector_store_idx %arg6[%add3A_460], %add3A_457 : memref<32768xi32, #tpu.memory_space<vmem>>[vector<16xi32>], vector<16xi32>,
      %get3A_461 = arith.constant 20 : i32
      %get3A_462 = arith.index_cast %get3A_461 : i32 to index
      %get3A_463 = arith.index_cast %mul3A_258 : i32 to index
      %get3A_464 = tpu.vector_load %arg5[%get3A_462, %get3A_463] {strides = array<i32>} : memref<32x1024xi32, #tpu.memory_space<vmem>>, vector<16xi32>,
      %add3A_465 = arith.constant 20480 : i32
      %add3A_466 = vector.broadcast %add3A_465 : i32 to vector<16xi32>
      %add3A_467 = arith.addi %get3A_464, %add3A_466 : vector<16xi32>
      %add3A_468 = arith.constant 20 : i32
      %add3A_469 = vector.broadcast %add3A_468 : i32 to vector<16xi32>
      %add3A_470 = arith.addi %add3A_261, %add3A_469 : vector<16xi32>
      tpu.vector_store_idx %arg6[%add3A_470], %add3A_467 : memref<32768xi32, #tpu.memory_space<vmem>>[vector<16xi32>], vector<16xi32>,
      %get3A_471 = arith.constant 21 : i32
      %get3A_472 = arith.index_cast %get3A_471 : i32 to index
      %get3A_473 = arith.index_cast %mul3A_258 : i32 to index
      %get3A_474 = tpu.vector_load %arg5[%get3A_472, %get3A_473] {strides = array<i32>} : memref<32x1024xi32, #tpu.memory_space<vmem>>, vector<16xi32>,
      %add3A_475 = arith.constant 21504 : i32
      %add3A_476 = vector.broadcast %add3A_475 : i32 to vector<16xi32>
      %add3A_477 = arith.addi %get3A_474, %add3A_476 : vector<16xi32>
      %add3A_478 = arith.constant 21 : i32
      %add3A_479 = vector.broadcast %add3A_478 : i32 to vector<16xi32>
      %add3A_480 = arith.addi %add3A_261, %add3A_479 : vector<16xi32>
      tpu.vector_store_idx %arg6[%add3A_480], %add3A_477 : memref<32768xi32, #tpu.memory_space<vmem>>[vector<16xi32>], vector<16xi32>,
      %get3A_481 = arith.constant 22 : i32
      %get3A_482 = arith.index_cast %get3A_481 : i32 to index
      %get3A_483 = arith.index_cast %mul3A_258 : i32 to index
      %get3A_484 = tpu.vector_load %arg5[%get3A_482, %get3A_483] {strides = array<i32>} : memref<32x1024xi32, #tpu.memory_space<vmem>>, vector<16xi32>,
      %add3A_485 = arith.constant 22528 : i32
      %add3A_486 = vector.broadcast %add3A_485 : i32 to vector<16xi32>
      %add3A_487 = arith.addi %get3A_484, %add3A_486 : vector<16xi32>
      %add3A_488 = arith.constant 22 : i32
      %add3A_489 = vector.broadcast %add3A_488 : i32 to vector<16xi32>
      %add3A_490 = arith.addi %add3A_261, %add3A_489 : vector<16xi32>
      tpu.vector_store_idx %arg6[%add3A_490], %add3A_487 : memref<32768xi32, #tpu.memory_space<vmem>>[vector<16xi32>], vector<16xi32>,
      %get3A_491 = arith.constant 23 : i32
      %get3A_492 = arith.index_cast %get3A_491 : i32 to index
      %get3A_493 = arith.index_cast %mul3A_258 : i32 to index
      %get3A_494 = tpu.vector_load %arg5[%get3A_492, %get3A_493] {strides = array<i32>} : memref<32x1024xi32, #tpu.memory_space<vmem>>, vector<16xi32>,
      %add3A_495 = arith.constant 23552 : i32
      %add3A_496 = vector.broadcast %add3A_495 : i32 to vector<16xi32>
      %add3A_497 = arith.addi %get3A_494, %add3A_496 : vector<16xi32>
      %add3A_498 = arith.constant 23 : i32
      %add3A_499 = vector.broadcast %add3A_498 : i32 to vector<16xi32>
      %add3A_500 = arith.addi %add3A_261, %add3A_499 : vector<16xi32>
      tpu.vector_store_idx %arg6[%add3A_500], %add3A_497 : memref<32768xi32, #tpu.memory_space<vmem>>[vector<16xi32>], vector<16xi32>,
      %get3A_501 = arith.constant 24 : i32
      %get3A_502 = arith.index_cast %get3A_501 : i32 to index
      %get3A_503 = arith.index_cast %mul3A_258 : i32 to index
      %get3A_504 = tpu.vector_load %arg5[%get3A_502, %get3A_503] {strides = array<i32>} : memref<32x1024xi32, #tpu.memory_space<vmem>>, vector<16xi32>,
      %add3A_505 = arith.constant 24576 : i32
      %add3A_506 = vector.broadcast %add3A_505 : i32 to vector<16xi32>
      %add3A_507 = arith.addi %get3A_504, %add3A_506 : vector<16xi32>
      %add3A_508 = arith.constant 24 : i32
      %add3A_509 = vector.broadcast %add3A_508 : i32 to vector<16xi32>
      %add3A_510 = arith.addi %add3A_261, %add3A_509 : vector<16xi32>
      tpu.vector_store_idx %arg6[%add3A_510], %add3A_507 : memref<32768xi32, #tpu.memory_space<vmem>>[vector<16xi32>], vector<16xi32>,
      %get3A_511 = arith.constant 25 : i32
      %get3A_512 = arith.index_cast %get3A_511 : i32 to index
      %get3A_513 = arith.index_cast %mul3A_258 : i32 to index
      %get3A_514 = tpu.vector_load %arg5[%get3A_512, %get3A_513] {strides = array<i32>} : memref<32x1024xi32, #tpu.memory_space<vmem>>, vector<16xi32>,
      %add3A_515 = arith.constant 25600 : i32
      %add3A_516 = vector.broadcast %add3A_515 : i32 to vector<16xi32>
      %add3A_517 = arith.addi %get3A_514, %add3A_516 : vector<16xi32>
      %add3A_518 = arith.constant 25 : i32
      %add3A_519 = vector.broadcast %add3A_518 : i32 to vector<16xi32>
      %add3A_520 = arith.addi %add3A_261, %add3A_519 : vector<16xi32>
      tpu.vector_store_idx %arg6[%add3A_520], %add3A_517 : memref<32768xi32, #tpu.memory_space<vmem>>[vector<16xi32>], vector<16xi32>,
      %get3A_521 = arith.constant 26 : i32
      %get3A_522 = arith.index_cast %get3A_521 : i32 to index
      %get3A_523 = arith.index_cast %mul3A_258 : i32 to index
      %get3A_524 = tpu.vector_load %arg5[%get3A_522, %get3A_523] {strides = array<i32>} : memref<32x1024xi32, #tpu.memory_space<vmem>>, vector<16xi32>,
      %add3A_525 = arith.constant 26624 : i32
      %add3A_526 = vector.broadcast %add3A_525 : i32 to vector<16xi32>
      %add3A_527 = arith.addi %get3A_524, %add3A_526 : vector<16xi32>
      %add3A_528 = arith.constant 26 : i32
      %add3A_529 = vector.broadcast %add3A_528 : i32 to vector<16xi32>
      %add3A_530 = arith.addi %add3A_261, %add3A_529 : vector<16xi32>
      tpu.vector_store_idx %arg6[%add3A_530], %add3A_527 : memref<32768xi32, #tpu.memory_space<vmem>>[vector<16xi32>], vector<16xi32>,
      %get3A_531 = arith.constant 27 : i32
      %get3A_532 = arith.index_cast %get3A_531 : i32 to index
      %get3A_533 = arith.index_cast %mul3A_258 : i32 to index
      %get3A_534 = tpu.vector_load %arg5[%get3A_532, %get3A_533] {strides = array<i32>} : memref<32x1024xi32, #tpu.memory_space<vmem>>, vector<16xi32>,
      %add3A_535 = arith.constant 27648 : i32
      %add3A_536 = vector.broadcast %add3A_535 : i32 to vector<16xi32>
      %add3A_537 = arith.addi %get3A_534, %add3A_536 : vector<16xi32>
      %add3A_538 = arith.constant 27 : i32
      %add3A_539 = vector.broadcast %add3A_538 : i32 to vector<16xi32>
      %add3A_540 = arith.addi %add3A_261, %add3A_539 : vector<16xi32>
      tpu.vector_store_idx %arg6[%add3A_540], %add3A_537 : memref<32768xi32, #tpu.memory_space<vmem>>[vector<16xi32>], vector<16xi32>,
      %get3A_541 = arith.constant 28 : i32
      %get3A_542 = arith.index_cast %get3A_541 : i32 to index
      %get3A_543 = arith.index_cast %mul3A_258 : i32 to index
      %get3A_544 = tpu.vector_load %arg5[%get3A_542, %get3A_543] {strides = array<i32>} : memref<32x1024xi32, #tpu.memory_space<vmem>>, vector<16xi32>,
      %add3A_545 = arith.constant 28672 : i32
      %add3A_546 = vector.broadcast %add3A_545 : i32 to vector<16xi32>
      %add3A_547 = arith.addi %get3A_544, %add3A_546 : vector<16xi32>
      %add3A_548 = arith.constant 28 : i32
      %add3A_549 = vector.broadcast %add3A_548 : i32 to vector<16xi32>
      %add3A_550 = arith.addi %add3A_261, %add3A_549 : vector<16xi32>
      tpu.vector_store_idx %arg6[%add3A_550], %add3A_547 : memref<32768xi32, #tpu.memory_space<vmem>>[vector<16xi32>], vector<16xi32>,
      %get3A_551 = arith.constant 29 : i32
      %get3A_552 = arith.index_cast %get3A_551 : i32 to index
      %get3A_553 = arith.index_cast %mul3A_258 : i32 to index
      %get3A_554 = tpu.vector_load %arg5[%get3A_552, %get3A_553] {strides = array<i32>} : memref<32x1024xi32, #tpu.memory_space<vmem>>, vector<16xi32>,
      %add3A_555 = arith.constant 29696 : i32
      %add3A_556 = vector.broadcast %add3A_555 : i32 to vector<16xi32>
      %add3A_557 = arith.addi %get3A_554, %add3A_556 : vector<16xi32>
      %add3A_558 = arith.constant 29 : i32
      %add3A_559 = vector.broadcast %add3A_558 : i32 to vector<16xi32>
      %add3A_560 = arith.addi %add3A_261, %add3A_559 : vector<16xi32>
      tpu.vector_store_idx %arg6[%add3A_560], %add3A_557 : memref<32768xi32, #tpu.memory_space<vmem>>[vector<16xi32>], vector<16xi32>,
      %get3A_561 = arith.constant 30 : i32
      %get3A_562 = arith.index_cast %get3A_561 : i32 to index
      %get3A_563 = arith.index_cast %mul3A_258 : i32 to index
      %get3A_564 = tpu.vector_load %arg5[%get3A_562, %get3A_563] {strides = array<i32>} : memref<32x1024xi32, #tpu.memory_space<vmem>>, vector<16xi32>,
      %add3A_565 = arith.constant 30720 : i32
      %add3A_566 = vector.broadcast %add3A_565 : i32 to vector<16xi32>
      %add3A_567 = arith.addi %get3A_564, %add3A_566 : vector<16xi32>
      %add3A_568 = arith.constant 30 : i32
      %add3A_569 = vector.broadcast %add3A_568 : i32 to vector<16xi32>
      %add3A_570 = arith.addi %add3A_261, %add3A_569 : vector<16xi32>
      tpu.vector_store_idx %arg6[%add3A_570], %add3A_567 : memref<32768xi32, #tpu.memory_space<vmem>>[vector<16xi32>], vector<16xi32>,
      %get3A_571 = arith.constant 31 : i32
      %get3A_572 = arith.index_cast %get3A_571 : i32 to index
      %get3A_573 = arith.index_cast %mul3A_258 : i32 to index
      %get3A_574 = tpu.vector_load %arg5[%get3A_572, %get3A_573] {strides = array<i32>} : memref<32x1024xi32, #tpu.memory_space<vmem>>, vector<16xi32>,
      %add3A_575 = arith.constant 31744 : i32
      %add3A_576 = vector.broadcast %add3A_575 : i32 to vector<16xi32>
      %add3A_577 = arith.addi %get3A_574, %add3A_576 : vector<16xi32>
      %add3A_578 = arith.constant 31 : i32
      %add3A_579 = vector.broadcast %add3A_578 : i32 to vector<16xi32>
      %add3A_580 = arith.addi %add3A_261, %add3A_579 : vector<16xi32>
      tpu.vector_store_idx %arg6[%add3A_580], %add3A_577 : memref<32768xi32, #tpu.memory_space<vmem>>[vector<16xi32>], vector<16xi32>,
    }
    %scan3A_8 = arith.constant 64 : i32
    %dma_start3A = arith.constant 0 : i32
    %dma_start3A_9 = arith.constant 0 : i32
    %dma_start3A_10 = arith.constant 0 : i32
    %dma_start3A_11 = tpu.memref_slice %arg7[%dma_start3A, %dma_start3A_9, %dma_start3A_10] : memref<6x128x64xf32, #tpu.memory_space<vmem>> -> memref<1x128x64xf32, #tpu.memory_space<vmem>>
    %dma_start3A_12 = tpu.memref_squeeze %dma_start3A_11 : memref<1x128x64xf32, #tpu.memory_space<vmem>> -> memref<128x64xf32, #tpu.memory_space<vmem>>
    %dma_start3A_13 = arith.constant 0 : i32
    %dma_start3A_14 = tpu.memref_slice %arg6[%dma_start3A_13] : memref<32768xi32, #tpu.memory_space<vmem>> -> memref<128xi32, #tpu.memory_space<vmem>>
    %dma_start3A_15 = arith.constant 0 : i32
    %dma_start3A_16 = arith.constant 0 : i32
    %dma_start3A_17 = tpu.memref_slice %arg3[%dma_start3A_15, %dma_start3A_16] : memref<32768x64xf32, #tpu.memory_space<hbm>> -> memref<32768x64xf32, #tpu.memory_space<hbm>>
    tpu.enqueue_indirect_dma source(%dma_start3A_17 : memref<32768x64xf32, #tpu.memory_space<hbm>>) target(%dma_start3A_12 : memref<128x64xf32, #tpu.memory_space<vmem>>) offsets(%dma_start3A_14 : memref<128xi32, #tpu.memory_space<vmem>>) semaphore(%arg8 : memref<!tpu.dma_semaphore, #tpu.memory_space<semaphore_mem>>)
    %dma_start3A_18 = arith.constant 1 : i32
    %dma_start3A_19 = arith.constant 0 : i32
    %dma_start3A_20 = arith.constant 0 : i32
    %dma_start3A_21 = tpu.memref_slice %arg7[%dma_start3A_18, %dma_start3A_19, %dma_start3A_20] : memref<6x128x64xf32, #tpu.memory_space<vmem>> -> memref<1x128x64xf32, #tpu.memory_space<vmem>>
    %dma_start3A_22 = tpu.memref_squeeze %dma_start3A_21 : memref<1x128x64xf32, #tpu.memory_space<vmem>> -> memref<128x64xf32, #tpu.memory_space<vmem>>
    %dma_start3A_23 = arith.constant 128 : i32
    %dma_start3A_24 = tpu.memref_slice %arg6[%dma_start3A_23] : memref<32768xi32, #tpu.memory_space<vmem>> -> memref<128xi32, #tpu.memory_space<vmem>>
    %dma_start3A_25 = arith.constant 0 : i32
    %dma_start3A_26 = arith.constant 0 : i32
    %dma_start3A_27 = tpu.memref_slice %arg3[%dma_start3A_25, %dma_start3A_26] : memref<32768x64xf32, #tpu.memory_space<hbm>> -> memref<32768x64xf32, #tpu.memory_space<hbm>>
    tpu.enqueue_indirect_dma source(%dma_start3A_27 : memref<32768x64xf32, #tpu.memory_space<hbm>>) target(%dma_start3A_22 : memref<128x64xf32, #tpu.memory_space<vmem>>) offsets(%dma_start3A_24 : memref<128xi32, #tpu.memory_space<vmem>>) semaphore(%arg9 : memref<!tpu.dma_semaphore, #tpu.memory_space<semaphore_mem>>)
    %dma_start3A_28 = arith.constant 2 : i32
    %dma_start3A_29 = arith.constant 0 : i32
    %dma_start3A_30 = arith.constant 0 : i32
    %dma_start3A_31 = tpu.memref_slice %arg7[%dma_start3A_28, %dma_start3A_29, %dma_start3A_30] : memref<6x128x64xf32, #tpu.memory_space<vmem>> -> memref<1x128x64xf32, #tpu.memory_space<vmem>>
    %dma_start3A_32 = tpu.memref_squeeze %dma_start3A_31 : memref<1x128x64xf32, #tpu.memory_space<vmem>> -> memref<128x64xf32, #tpu.memory_space<vmem>>
    %dma_start3A_33 = arith.constant 256 : i32
    %dma_start3A_34 = tpu.memref_slice %arg6[%dma_start3A_33] : memref<32768xi32, #tpu.memory_space<vmem>> -> memref<128xi32, #tpu.memory_space<vmem>>
    %dma_start3A_35 = arith.constant 0 : i32
    %dma_start3A_36 = arith.constant 0 : i32
    %dma_start3A_37 = tpu.memref_slice %arg3[%dma_start3A_35, %dma_start3A_36] : memref<32768x64xf32, #tpu.memory_space<hbm>> -> memref<32768x64xf32, #tpu.memory_space<hbm>>
    tpu.enqueue_indirect_dma source(%dma_start3A_37 : memref<32768x64xf32, #tpu.memory_space<hbm>>) target(%dma_start3A_32 : memref<128x64xf32, #tpu.memory_space<vmem>>) offsets(%dma_start3A_34 : memref<128xi32, #tpu.memory_space<vmem>>) semaphore(%arg10 : memref<!tpu.dma_semaphore, #tpu.memory_space<semaphore_mem>>)
    %dma_start3A_38 = arith.constant 3 : i32
    %dma_start3A_39 = arith.constant 0 : i32
    %dma_start3A_40 = arith.constant 0 : i32
    %dma_start3A_41 = tpu.memref_slice %arg7[%dma_start3A_38, %dma_start3A_39, %dma_start3A_40] : memref<6x128x64xf32, #tpu.memory_space<vmem>> -> memref<1x128x64xf32, #tpu.memory_space<vmem>>
    %dma_start3A_42 = tpu.memref_squeeze %dma_start3A_41 : memref<1x128x64xf32, #tpu.memory_space<vmem>> -> memref<128x64xf32, #tpu.memory_space<vmem>>
    %dma_start3A_43 = arith.constant 384 : i32
    %dma_start3A_44 = tpu.memref_slice %arg6[%dma_start3A_43] : memref<32768xi32, #tpu.memory_space<vmem>> -> memref<128xi32, #tpu.memory_space<vmem>>
    %dma_start3A_45 = arith.constant 0 : i32
    %dma_start3A_46 = arith.constant 0 : i32
    %dma_start3A_47 = tpu.memref_slice %arg3[%dma_start3A_45, %dma_start3A_46] : memref<32768x64xf32, #tpu.memory_space<hbm>> -> memref<32768x64xf32, #tpu.memory_space<hbm>>
    tpu.enqueue_indirect_dma source(%dma_start3A_47 : memref<32768x64xf32, #tpu.memory_space<hbm>>) target(%dma_start3A_42 : memref<128x64xf32, #tpu.memory_space<vmem>>) offsets(%dma_start3A_44 : memref<128xi32, #tpu.memory_space<vmem>>) semaphore(%arg11 : memref<!tpu.dma_semaphore, #tpu.memory_space<semaphore_mem>>)
    %dma_start3A_48 = arith.constant 4 : i32
    %dma_start3A_49 = arith.constant 0 : i32
    %dma_start3A_50 = arith.constant 0 : i32
    %dma_start3A_51 = tpu.memref_slice %arg7[%dma_start3A_48, %dma_start3A_49, %dma_start3A_50] : memref<6x128x64xf32, #tpu.memory_space<vmem>> -> memref<1x128x64xf32, #tpu.memory_space<vmem>>
    %dma_start3A_52 = tpu.memref_squeeze %dma_start3A_51 : memref<1x128x64xf32, #tpu.memory_space<vmem>> -> memref<128x64xf32, #tpu.memory_space<vmem>>
    %dma_start3A_53 = arith.constant 512 : i32
    %dma_start3A_54 = tpu.memref_slice %arg6[%dma_start3A_53] : memref<32768xi32, #tpu.memory_space<vmem>> -> memref<128xi32, #tpu.memory_space<vmem>>
    %dma_start3A_55 = arith.constant 0 : i32
    %dma_start3A_56 = arith.constant 0 : i32
    %dma_start3A_57 = tpu.memref_slice %arg3[%dma_start3A_55, %dma_start3A_56] : memref<32768x64xf32, #tpu.memory_space<hbm>> -> memref<32768x64xf32, #tpu.memory_space<hbm>>
    tpu.enqueue_indirect_dma source(%dma_start3A_57 : memref<32768x64xf32, #tpu.memory_space<hbm>>) target(%dma_start3A_52 : memref<128x64xf32, #tpu.memory_space<vmem>>) offsets(%dma_start3A_54 : memref<128xi32, #tpu.memory_space<vmem>>) semaphore(%arg12 : memref<!tpu.dma_semaphore, #tpu.memory_space<semaphore_mem>>)
    %scan3A_58 = arith.constant 0 : i32
    %scan3A_59 = arith.constant 0 : i32
    %scan3A_60 = arith.constant 42 : i32
    %scan3A_61 = arith.addi %scan3A_59, %scan3A_60 : i32
    %scan3A_62 = arith.constant 1 : i32
    scf.for %scan3A_256 = %scan3A_59 to %scan3A_61 step %scan3A_62  : i32 {
      %mul3A_257 = arith.constant 6 : i32
      %mul3A_258 = arith.muli %mul3A_257, %scan3A_256 : i32
      %add3A = arith.constant 0 : i32
      %add3A_259 = arith.addi %mul3A_258, %add3A : i32
      %ge3A = arith.constant 1 : i32
      %ge3A_260 = arith.cmpi sge, %add3A_259, %ge3A : i32
      %convert_element_type3A = arith.extui %ge3A_260 : i1 to i32
      %cond3A = arith.constant 0 : i32
      %cond3A_261 = arith.cmpi ne, %convert_element_type3A, %cond3A : i32
      scf.if %cond3A_261 {
        %sub3A_527 = arith.constant 1 : i32
        %sub3A_528 = arith.subi %add3A_259, %sub3A_527 : i32
        %mul3A_529 = arith.constant 128 : i32
        %mul3A_530 = arith.muli %sub3A_528, %mul3A_529 : i32
        %dma_wait3A_531 = arith.constant 5 : i32
        %dma_wait3A_532 = arith.constant 0 : i32
        %dma_wait3A_533 = arith.constant 0 : i32
        %dma_wait3A_534 = tpu.memref_slice %arg7[%dma_wait3A_531, %dma_wait3A_532, %dma_wait3A_533] : memref<6x128x64xf32, #tpu.memory_space<vmem>> -> memref<1x128x64xf32, #tpu.memory_space<vmem>>
        %dma_wait3A_535 = tpu.memref_squeeze %dma_wait3A_534 : memref<1x128x64xf32, #tpu.memory_space<vmem>> -> memref<128x64xf32, #tpu.memory_space<vmem>>
        %dma_wait3A_536 = arith.constant 0 : i32
        %dma_wait3A_537 = tpu.memref_slice %arg4[%arg1, %arg0, %mul3A_530, %dma_wait3A_536] : memref<16x2x32768x64xf32, #tpu.memory_space<hbm>> -> memref<1x1x128x64xf32, #tpu.memory_space<hbm>>
        %dma_wait3A_538 = tpu.memref_squeeze %dma_wait3A_537 : memref<1x1x128x64xf32, #tpu.memory_space<hbm>> -> memref<128x64xf32, #tpu.memory_space<hbm>>
        %dma_wait3A_539 = arith.constant 0 : i32
        %dma_wait3A_540 = tpu.memref_slice %arg4[%arg1, %arg0, %mul3A_530, %dma_wait3A_539] : memref<16x2x32768x64xf32, #tpu.memory_space<hbm>> -> memref<1x1x128x64xf32, #tpu.memory_space<hbm>>
        %dma_wait3A_541 = tpu.memref_squeeze %dma_wait3A_540 : memref<1x1x128x64xf32, #tpu.memory_space<hbm>> -> memref<128x64xf32, #tpu.memory_space<hbm>>
        %dma_wait3A_542 = arith.constant 0 : i32
        %dma_wait3A_543 = arith.constant 0 : i32
        %dma_wait3A_544 = tpu.memref_slice %arg7[%dma_wait3A_531, %dma_wait3A_542, %dma_wait3A_543] : memref<6x128x64xf32, #tpu.memory_space<vmem>> -> memref<1x128x64xf32, #tpu.memory_space<vmem>>
        %dma_wait3A_545 = tpu.memref_squeeze %dma_wait3A_544 : memref<1x128x64xf32, #tpu.memory_space<vmem>> -> memref<128x64xf32, #tpu.memory_space<vmem>>
        tpu.wait_dma2 semaphore(%arg19 : memref<!tpu.dma_semaphore, #tpu.memory_space<semaphore_mem>>) src(%dma_wait3A_545 : memref<128x64xf32, #tpu.memory_space<vmem>>) dst(%dma_wait3A_541 : memref<128x64xf32, #tpu.memory_space<hbm>>)
      } else {
      }
      %add3A_262 = arith.constant 6 : i32
      %add3A_263 = arith.addi %add3A_259, %add3A_262 : i32
      %sub3A = arith.constant 1 : i32
      %sub3A_264 = arith.subi %add3A_263, %sub3A : i32
      %lt3A = arith.constant 256 : i32
      %lt3A_265 = arith.cmpi slt, %sub3A_264, %lt3A : i32
      %convert_element_type3A_266 = arith.extui %lt3A_265 : i1 to i32
      %cond3A_267 = arith.constant 0 : i32
      %cond3A_268 = arith.cmpi ne, %convert_element_type3A_266, %cond3A_267 : i32
      scf.if %cond3A_268 {
        %add3A_527 = arith.constant 6 : i32
        %add3A_528 = arith.addi %add3A_259, %add3A_527 : i32
        %sub3A_529 = arith.constant 1 : i32
        %sub3A_530 = arith.subi %add3A_528, %sub3A_529 : i32
        %mul3A_531 = arith.constant 128 : i32
        %mul3A_532 = arith.muli %sub3A_530, %mul3A_531 : i32
        %dma_start3A_533 = arith.constant 5 : i32
        %dma_start3A_534 = arith.constant 0 : i32
        %dma_start3A_535 = arith.constant 0 : i32
        %dma_start3A_536 = tpu.memref_slice %arg7[%dma_start3A_533, %dma_start3A_534, %dma_start3A_535] : memref<6x128x64xf32, #tpu.memory_space<vmem>> -> memref<1x128x64xf32, #tpu.memory_space<vmem>>
        %dma_start3A_537 = tpu.memref_squeeze %dma_start3A_536 : memref<1x128x64xf32, #tpu.memory_space<vmem>> -> memref<128x64xf32, #tpu.memory_space<vmem>>
        %dma_start3A_538 = tpu.memref_slice %arg6[%mul3A_532] : memref<32768xi32, #tpu.memory_space<vmem>> -> memref<128xi32, #tpu.memory_space<vmem>>
        %dma_start3A_539 = arith.constant 0 : i32
        %dma_start3A_540 = arith.constant 0 : i32
        %dma_start3A_541 = tpu.memref_slice %arg3[%dma_start3A_539, %dma_start3A_540] : memref<32768x64xf32, #tpu.memory_space<hbm>> -> memref<32768x64xf32, #tpu.memory_space<hbm>>
        tpu.enqueue_indirect_dma source(%dma_start3A_541 : memref<32768x64xf32, #tpu.memory_space<hbm>>) target(%dma_start3A_537 : memref<128x64xf32, #tpu.memory_space<vmem>>) offsets(%dma_start3A_538 : memref<128xi32, #tpu.memory_space<vmem>>) semaphore(%arg13 : memref<!tpu.dma_semaphore, #tpu.memory_space<semaphore_mem>>)
      } else {
      }
      %mul3A_269 = arith.constant 128 : i32
      %mul3A_270 = arith.muli %add3A_259, %mul3A_269 : i32
      %dma_wait3A_271 = arith.constant 0 : i32
      %dma_wait3A_272 = arith.constant 0 : i32
      %dma_wait3A_273 = arith.constant 0 : i32
      %dma_wait3A_274 = tpu.memref_slice %arg7[%dma_wait3A_271, %dma_wait3A_272, %dma_wait3A_273] : memref<6x128x64xf32, #tpu.memory_space<vmem>> -> memref<1x128x64xf32, #tpu.memory_space<vmem>>
      %dma_wait3A_275 = tpu.memref_squeeze %dma_wait3A_274 : memref<1x128x64xf32, #tpu.memory_space<vmem>> -> memref<128x64xf32, #tpu.memory_space<vmem>>
      %dma_wait3A_276 = tpu.memref_slice %arg6[%mul3A_270] : memref<32768xi32, #tpu.memory_space<vmem>> -> memref<128xi32, #tpu.memory_space<vmem>>
      %dma_wait3A_277 = arith.constant 0 : i32
      %dma_wait3A_278 = arith.constant 0 : i32
      %dma_wait3A_279 = tpu.memref_slice %arg3[%dma_wait3A_277, %dma_wait3A_278] : memref<32768x64xf32, #tpu.memory_space<hbm>> -> memref<32768x64xf32, #tpu.memory_space<hbm>>
      tpu.wait_indirect_dma semaphore(%arg8 : memref<!tpu.dma_semaphore, #tpu.memory_space<semaphore_mem>>) src(%dma_wait3A_279 : memref<32768x64xf32, #tpu.memory_space<hbm>>) dst(%dma_wait3A_275 : memref<128x64xf32, #tpu.memory_space<vmem>>)
      %mul3A_280 = arith.constant 128 : i32
      %mul3A_281 = arith.muli %add3A_259, %mul3A_280 : i32
      %dma_start3A_282 = arith.constant 0 : i32
      %dma_start3A_283 = arith.constant 0 : i32
      %dma_start3A_284 = arith.constant 0 : i32
      %dma_start3A_285 = tpu.memref_slice %arg7[%dma_start3A_282, %dma_start3A_283, %dma_start3A_284] : memref<6x128x64xf32, #tpu.memory_space<vmem>> -> memref<1x128x64xf32, #tpu.memory_space<vmem>>
      %dma_start3A_286 = tpu.memref_squeeze %dma_start3A_285 : memref<1x128x64xf32, #tpu.memory_space<vmem>> -> memref<128x64xf32, #tpu.memory_space<vmem>>
      %dma_start3A_287 = arith.constant 0 : i32
      %dma_start3A_288 = tpu.memref_slice %arg4[%arg1, %arg0, %mul3A_281, %dma_start3A_287] : memref<16x2x32768x64xf32, #tpu.memory_space<hbm>> -> memref<1x1x128x64xf32, #tpu.memory_space<hbm>>
      %dma_start3A_289 = tpu.memref_squeeze %dma_start3A_288 : memref<1x1x128x64xf32, #tpu.memory_space<hbm>> -> memref<128x64xf32, #tpu.memory_space<hbm>>
      %dma_start3A_290 = arith.constant 0 : i32
      %dma_start3A_291 = tpu.memref_slice %arg4[%arg1, %arg0, %mul3A_281, %dma_start3A_290] : memref<16x2x32768x64xf32, #tpu.memory_space<hbm>> -> memref<1x1x128x64xf32, #tpu.memory_space<hbm>>
      %dma_start3A_292 = tpu.memref_squeeze %dma_start3A_291 : memref<1x1x128x64xf32, #tpu.memory_space<hbm>> -> memref<128x64xf32, #tpu.memory_space<hbm>>
      %dma_start3A_293 = arith.constant 0 : i32
      %dma_start3A_294 = arith.constant 0 : i32
      %dma_start3A_295 = tpu.memref_slice %arg7[%dma_start3A_282, %dma_start3A_293, %dma_start3A_294] : memref<6x128x64xf32, #tpu.memory_space<vmem>> -> memref<1x128x64xf32, #tpu.memory_space<vmem>>
      %dma_start3A_296 = tpu.memref_squeeze %dma_start3A_295 : memref<1x128x64xf32, #tpu.memory_space<vmem>> -> memref<128x64xf32, #tpu.memory_space<vmem>>
      tpu.enqueue_dma source(%dma_start3A_296 : memref<128x64xf32, #tpu.memory_space<vmem>>) target(%dma_start3A_292 : memref<128x64xf32, #tpu.memory_space<hbm>>) target_semaphore(%arg14 : memref<!tpu.dma_semaphore, #tpu.memory_space<semaphore_mem>>)
      %mul3A_297 = arith.constant 6 : i32
      %mul3A_298 = arith.muli %mul3A_297, %scan3A_256 : i32
      %add3A_299 = arith.constant 1 : i32
      %add3A_300 = arith.addi %mul3A_298, %add3A_299 : i32
      %ge3A_301 = arith.constant 1 : i32
      %ge3A_302 = arith.cmpi sge, %add3A_300, %ge3A_301 : i32
      %convert_element_type3A_303 = arith.extui %ge3A_302 : i1 to i32
      %cond3A_304 = arith.constant 0 : i32
      %cond3A_305 = arith.cmpi ne, %convert_element_type3A_303, %cond3A_304 : i32
      scf.if %cond3A_305 {
        %sub3A_527 = arith.constant 1 : i32
        %sub3A_528 = arith.subi %add3A_300, %sub3A_527 : i32
        %mul3A_529 = arith.constant 128 : i32
        %mul3A_530 = arith.muli %sub3A_528, %mul3A_529 : i32
        %dma_wait3A_531 = arith.constant 0 : i32
        %dma_wait3A_532 = arith.constant 0 : i32
        %dma_wait3A_533 = arith.constant 0 : i32
        %dma_wait3A_534 = tpu.memref_slice %arg7[%dma_wait3A_531, %dma_wait3A_532, %dma_wait3A_533] : memref<6x128x64xf32, #tpu.memory_space<vmem>> -> memref<1x128x64xf32, #tpu.memory_space<vmem>>
        %dma_wait3A_535 = tpu.memref_squeeze %dma_wait3A_534 : memref<1x128x64xf32, #tpu.memory_space<vmem>> -> memref<128x64xf32, #tpu.memory_space<vmem>>
        %dma_wait3A_536 = arith.constant 0 : i32
        %dma_wait3A_537 = tpu.memref_slice %arg4[%arg1, %arg0, %mul3A_530, %dma_wait3A_536] : memref<16x2x32768x64xf32, #tpu.memory_space<hbm>> -> memref<1x1x128x64xf32, #tpu.memory_space<hbm>>
        %dma_wait3A_538 = tpu.memref_squeeze %dma_wait3A_537 : memref<1x1x128x64xf32, #tpu.memory_space<hbm>> -> memref<128x64xf32, #tpu.memory_space<hbm>>
        %dma_wait3A_539 = arith.constant 0 : i32
        %dma_wait3A_540 = tpu.memref_slice %arg4[%arg1, %arg0, %mul3A_530, %dma_wait3A_539] : memref<16x2x32768x64xf32, #tpu.memory_space<hbm>> -> memref<1x1x128x64xf32, #tpu.memory_space<hbm>>
        %dma_wait3A_541 = tpu.memref_squeeze %dma_wait3A_540 : memref<1x1x128x64xf32, #tpu.memory_space<hbm>> -> memref<128x64xf32, #tpu.memory_space<hbm>>
        %dma_wait3A_542 = arith.constant 0 : i32
        %dma_wait3A_543 = arith.constant 0 : i32
        %dma_wait3A_544 = tpu.memref_slice %arg7[%dma_wait3A_531, %dma_wait3A_542, %dma_wait3A_543] : memref<6x128x64xf32, #tpu.memory_space<vmem>> -> memref<1x128x64xf32, #tpu.memory_space<vmem>>
        %dma_wait3A_545 = tpu.memref_squeeze %dma_wait3A_544 : memref<1x128x64xf32, #tpu.memory_space<vmem>> -> memref<128x64xf32, #tpu.memory_space<vmem>>
        tpu.wait_dma2 semaphore(%arg14 : memref<!tpu.dma_semaphore, #tpu.memory_space<semaphore_mem>>) src(%dma_wait3A_545 : memref<128x64xf32, #tpu.memory_space<vmem>>) dst(%dma_wait3A_541 : memref<128x64xf32, #tpu.memory_space<hbm>>)
      } else {
      }
      %add3A_306 = arith.constant 6 : i32
      %add3A_307 = arith.addi %add3A_300, %add3A_306 : i32
      %sub3A_308 = arith.constant 1 : i32
      %sub3A_309 = arith.subi %add3A_307, %sub3A_308 : i32
      %lt3A_310 = arith.constant 256 : i32
      %lt3A_311 = arith.cmpi slt, %sub3A_309, %lt3A_310 : i32
      %convert_element_type3A_312 = arith.extui %lt3A_311 : i1 to i32
      %cond3A_313 = arith.constant 0 : i32
      %cond3A_314 = arith.cmpi ne, %convert_element_type3A_312, %cond3A_313 : i32
      scf.if %cond3A_314 {
        %add3A_527 = arith.constant 6 : i32
        %add3A_528 = arith.addi %add3A_300, %add3A_527 : i32
        %sub3A_529 = arith.constant 1 : i32
        %sub3A_530 = arith.subi %add3A_528, %sub3A_529 : i32
        %mul3A_531 = arith.constant 128 : i32
        %mul3A_532 = arith.muli %sub3A_530, %mul3A_531 : i32
        %dma_start3A_533 = arith.constant 0 : i32
        %dma_start3A_534 = arith.constant 0 : i32
        %dma_start3A_535 = arith.constant 0 : i32
        %dma_start3A_536 = tpu.memref_slice %arg7[%dma_start3A_533, %dma_start3A_534, %dma_start3A_535] : memref<6x128x64xf32, #tpu.memory_space<vmem>> -> memref<1x128x64xf32, #tpu.memory_space<vmem>>
        %dma_start3A_537 = tpu.memref_squeeze %dma_start3A_536 : memref<1x128x64xf32, #tpu.memory_space<vmem>> -> memref<128x64xf32, #tpu.memory_space<vmem>>
        %dma_start3A_538 = tpu.memref_slice %arg6[%mul3A_532] : memref<32768xi32, #tpu.memory_space<vmem>> -> memref<128xi32, #tpu.memory_space<vmem>>
        %dma_start3A_539 = arith.constant 0 : i32
        %dma_start3A_540 = arith.constant 0 : i32
        %dma_start3A_541 = tpu.memref_slice %arg3[%dma_start3A_539, %dma_start3A_540] : memref<32768x64xf32, #tpu.memory_space<hbm>> -> memref<32768x64xf32, #tpu.memory_space<hbm>>
        tpu.enqueue_indirect_dma source(%dma_start3A_541 : memref<32768x64xf32, #tpu.memory_space<hbm>>) target(%dma_start3A_537 : memref<128x64xf32, #tpu.memory_space<vmem>>) offsets(%dma_start3A_538 : memref<128xi32, #tpu.memory_space<vmem>>) semaphore(%arg8 : memref<!tpu.dma_semaphore, #tpu.memory_space<semaphore_mem>>)
      } else {
      }
      %mul3A_315 = arith.constant 128 : i32
      %mul3A_316 = arith.muli %add3A_300, %mul3A_315 : i32
      %dma_wait3A_317 = arith.constant 1 : i32
      %dma_wait3A_318 = arith.constant 0 : i32
      %dma_wait3A_319 = arith.constant 0 : i32
      %dma_wait3A_320 = tpu.memref_slice %arg7[%dma_wait3A_317, %dma_wait3A_318, %dma_wait3A_319] : memref<6x128x64xf32, #tpu.memory_space<vmem>> -> memref<1x128x64xf32, #tpu.memory_space<vmem>>
      %dma_wait3A_321 = tpu.memref_squeeze %dma_wait3A_320 : memref<1x128x64xf32, #tpu.memory_space<vmem>> -> memref<128x64xf32, #tpu.memory_space<vmem>>
      %dma_wait3A_322 = tpu.memref_slice %arg6[%mul3A_316] : memref<32768xi32, #tpu.memory_space<vmem>> -> memref<128xi32, #tpu.memory_space<vmem>>
      %dma_wait3A_323 = arith.constant 0 : i32
      %dma_wait3A_324 = arith.constant 0 : i32
      %dma_wait3A_325 = tpu.memref_slice %arg3[%dma_wait3A_323, %dma_wait3A_324] : memref<32768x64xf32, #tpu.memory_space<hbm>> -> memref<32768x64xf32, #tpu.memory_space<hbm>>
      tpu.wait_indirect_dma semaphore(%arg9 : memref<!tpu.dma_semaphore, #tpu.memory_space<semaphore_mem>>) src(%dma_wait3A_325 : memref<32768x64xf32, #tpu.memory_space<hbm>>) dst(%dma_wait3A_321 : memref<128x64xf32, #tpu.memory_space<vmem>>)
      %mul3A_326 = arith.constant 128 : i32
      %mul3A_327 = arith.muli %add3A_300, %mul3A_326 : i32
      %dma_start3A_328 = arith.constant 1 : i32
      %dma_start3A_329 = arith.constant 0 : i32
      %dma_start3A_330 = arith.constant 0 : i32
      %dma_start3A_331 = tpu.memref_slice %arg7[%dma_start3A_328, %dma_start3A_329, %dma_start3A_330] : memref<6x128x64xf32, #tpu.memory_space<vmem>> -> memref<1x128x64xf32, #tpu.memory_space<vmem>>
      %dma_start3A_332 = tpu.memref_squeeze %dma_start3A_331 : memref<1x128x64xf32, #tpu.memory_space<vmem>> -> memref<128x64xf32, #tpu.memory_space<vmem>>
      %dma_start3A_333 = arith.constant 0 : i32
      %dma_start3A_334 = tpu.memref_slice %arg4[%arg1, %arg0, %mul3A_327, %dma_start3A_333] : memref<16x2x32768x64xf32, #tpu.memory_space<hbm>> -> memref<1x1x128x64xf32, #tpu.memory_space<hbm>>
      %dma_start3A_335 = tpu.memref_squeeze %dma_start3A_334 : memref<1x1x128x64xf32, #tpu.memory_space<hbm>> -> memref<128x64xf32, #tpu.memory_space<hbm>>
      %dma_start3A_336 = arith.constant 0 : i32
      %dma_start3A_337 = tpu.memref_slice %arg4[%arg1, %arg0, %mul3A_327, %dma_start3A_336] : memref<16x2x32768x64xf32, #tpu.memory_space<hbm>> -> memref<1x1x128x64xf32, #tpu.memory_space<hbm>>
      %dma_start3A_338 = tpu.memref_squeeze %dma_start3A_337 : memref<1x1x128x64xf32, #tpu.memory_space<hbm>> -> memref<128x64xf32, #tpu.memory_space<hbm>>
      %dma_start3A_339 = arith.constant 0 : i32
      %dma_start3A_340 = arith.constant 0 : i32
      %dma_start3A_341 = tpu.memref_slice %arg7[%dma_start3A_328, %dma_start3A_339, %dma_start3A_340] : memref<6x128x64xf32, #tpu.memory_space<vmem>> -> memref<1x128x64xf32, #tpu.memory_space<vmem>>
      %dma_start3A_342 = tpu.memref_squeeze %dma_start3A_341 : memref<1x128x64xf32, #tpu.memory_space<vmem>> -> memref<128x64xf32, #tpu.memory_space<vmem>>
      tpu.enqueue_dma source(%dma_start3A_342 : memref<128x64xf32, #tpu.memory_space<vmem>>) target(%dma_start3A_338 : memref<128x64xf32, #tpu.memory_space<hbm>>) target_semaphore(%arg15 : memref<!tpu.dma_semaphore, #tpu.memory_space<semaphore_mem>>)
      %mul3A_343 = arith.constant 6 : i32
      %mul3A_344 = arith.muli %mul3A_343, %scan3A_256 : i32
      %add3A_345 = arith.constant 2 : i32
      %add3A_346 = arith.addi %mul3A_344, %add3A_345 : i32
      %ge3A_347 = arith.constant 1 : i32
      %ge3A_348 = arith.cmpi sge, %add3A_346, %ge3A_347 : i32
      %convert_element_type3A_349 = arith.extui %ge3A_348 : i1 to i32
      %cond3A_350 = arith.constant 0 : i32
      %cond3A_351 = arith.cmpi ne, %convert_element_type3A_349, %cond3A_350 : i32
      scf.if %cond3A_351 {
        %sub3A_527 = arith.constant 1 : i32
        %sub3A_528 = arith.subi %add3A_346, %sub3A_527 : i32
        %mul3A_529 = arith.constant 128 : i32
        %mul3A_530 = arith.muli %sub3A_528, %mul3A_529 : i32
        %dma_wait3A_531 = arith.constant 1 : i32
        %dma_wait3A_532 = arith.constant 0 : i32
        %dma_wait3A_533 = arith.constant 0 : i32
        %dma_wait3A_534 = tpu.memref_slice %arg7[%dma_wait3A_531, %dma_wait3A_532, %dma_wait3A_533] : memref<6x128x64xf32, #tpu.memory_space<vmem>> -> memref<1x128x64xf32, #tpu.memory_space<vmem>>
        %dma_wait3A_535 = tpu.memref_squeeze %dma_wait3A_534 : memref<1x128x64xf32, #tpu.memory_space<vmem>> -> memref<128x64xf32, #tpu.memory_space<vmem>>
        %dma_wait3A_536 = arith.constant 0 : i32
        %dma_wait3A_537 = tpu.memref_slice %arg4[%arg1, %arg0, %mul3A_530, %dma_wait3A_536] : memref<16x2x32768x64xf32, #tpu.memory_space<hbm>> -> memref<1x1x128x64xf32, #tpu.memory_space<hbm>>
        %dma_wait3A_538 = tpu.memref_squeeze %dma_wait3A_537 : memref<1x1x128x64xf32, #tpu.memory_space<hbm>> -> memref<128x64xf32, #tpu.memory_space<hbm>>
        %dma_wait3A_539 = arith.constant 0 : i32
        %dma_wait3A_540 = tpu.memref_slice %arg4[%arg1, %arg0, %mul3A_530, %dma_wait3A_539] : memref<16x2x32768x64xf32, #tpu.memory_space<hbm>> -> memref<1x1x128x64xf32, #tpu.memory_space<hbm>>
        %dma_wait3A_541 = tpu.memref_squeeze %dma_wait3A_540 : memref<1x1x128x64xf32, #tpu.memory_space<hbm>> -> memref<128x64xf32, #tpu.memory_space<hbm>>
        %dma_wait3A_542 = arith.constant 0 : i32
        %dma_wait3A_543 = arith.constant 0 : i32
        %dma_wait3A_544 = tpu.memref_slice %arg7[%dma_wait3A_531, %dma_wait3A_542, %dma_wait3A_543] : memref<6x128x64xf32, #tpu.memory_space<vmem>> -> memref<1x128x64xf32, #tpu.memory_space<vmem>>
        %dma_wait3A_545 = tpu.memref_squeeze %dma_wait3A_544 : memref<1x128x64xf32, #tpu.memory_space<vmem>> -> memref<128x64xf32, #tpu.memory_space<vmem>>
        tpu.wait_dma2 semaphore(%arg15 : memref<!tpu.dma_semaphore, #tpu.memory_space<semaphore_mem>>) src(%dma_wait3A_545 : memref<128x64xf32, #tpu.memory_space<vmem>>) dst(%dma_wait3A_541 : memref<128x64xf32, #tpu.memory_space<hbm>>)
      } else {
      }
      %add3A_352 = arith.constant 6 : i32
      %add3A_353 = arith.addi %add3A_346, %add3A_352 : i32
      %sub3A_354 = arith.constant 1 : i32
      %sub3A_355 = arith.subi %add3A_353, %sub3A_354 : i32
      %lt3A_356 = arith.constant 256 : i32
      %lt3A_357 = arith.cmpi slt, %sub3A_355, %lt3A_356 : i32
      %convert_element_type3A_358 = arith.extui %lt3A_357 : i1 to i32
      %cond3A_359 = arith.constant 0 : i32
      %cond3A_360 = arith.cmpi ne, %convert_element_type3A_358, %cond3A_359 : i32
      scf.if %cond3A_360 {
        %add3A_527 = arith.constant 6 : i32
        %add3A_528 = arith.addi %add3A_346, %add3A_527 : i32
        %sub3A_529 = arith.constant 1 : i32
        %sub3A_530 = arith.subi %add3A_528, %sub3A_529 : i32
        %mul3A_531 = arith.constant 128 : i32
        %mul3A_532 = arith.muli %sub3A_530, %mul3A_531 : i32
        %dma_start3A_533 = arith.constant 1 : i32
        %dma_start3A_534 = arith.constant 0 : i32
        %dma_start3A_535 = arith.constant 0 : i32
        %dma_start3A_536 = tpu.memref_slice %arg7[%dma_start3A_533, %dma_start3A_534, %dma_start3A_535] : memref<6x128x64xf32, #tpu.memory_space<vmem>> -> memref<1x128x64xf32, #tpu.memory_space<vmem>>
        %dma_start3A_537 = tpu.memref_squeeze %dma_start3A_536 : memref<1x128x64xf32, #tpu.memory_space<vmem>> -> memref<128x64xf32, #tpu.memory_space<vmem>>
        %dma_start3A_538 = tpu.memref_slice %arg6[%mul3A_532] : memref<32768xi32, #tpu.memory_space<vmem>> -> memref<128xi32, #tpu.memory_space<vmem>>
        %dma_start3A_539 = arith.constant 0 : i32
        %dma_start3A_540 = arith.constant 0 : i32
        %dma_start3A_541 = tpu.memref_slice %arg3[%dma_start3A_539, %dma_start3A_540] : memref<32768x64xf32, #tpu.memory_space<hbm>> -> memref<32768x64xf32, #tpu.memory_space<hbm>>
        tpu.enqueue_indirect_dma source(%dma_start3A_541 : memref<32768x64xf32, #tpu.memory_space<hbm>>) target(%dma_start3A_537 : memref<128x64xf32, #tpu.memory_space<vmem>>) offsets(%dma_start3A_538 : memref<128xi32, #tpu.memory_space<vmem>>) semaphore(%arg9 : memref<!tpu.dma_semaphore, #tpu.memory_space<semaphore_mem>>)
      } else {
      }
      %mul3A_361 = arith.constant 128 : i32
      %mul3A_362 = arith.muli %add3A_346, %mul3A_361 : i32
      %dma_wait3A_363 = arith.constant 2 : i32
      %dma_wait3A_364 = arith.constant 0 : i32
      %dma_wait3A_365 = arith.constant 0 : i32
      %dma_wait3A_366 = tpu.memref_slice %arg7[%dma_wait3A_363, %dma_wait3A_364, %dma_wait3A_365] : memref<6x128x64xf32, #tpu.memory_space<vmem>> -> memref<1x128x64xf32, #tpu.memory_space<vmem>>
      %dma_wait3A_367 = tpu.memref_squeeze %dma_wait3A_366 : memref<1x128x64xf32, #tpu.memory_space<vmem>> -> memref<128x64xf32, #tpu.memory_space<vmem>>
      %dma_wait3A_368 = tpu.memref_slice %arg6[%mul3A_362] : memref<32768xi32, #tpu.memory_space<vmem>> -> memref<128xi32, #tpu.memory_space<vmem>>
      %dma_wait3A_369 = arith.constant 0 : i32
      %dma_wait3A_370 = arith.constant 0 : i32
      %dma_wait3A_371 = tpu.memref_slice %arg3[%dma_wait3A_369, %dma_wait3A_370] : memref<32768x64xf32, #tpu.memory_space<hbm>> -> memref<32768x64xf32, #tpu.memory_space<hbm>>
      tpu.wait_indirect_dma semaphore(%arg10 : memref<!tpu.dma_semaphore, #tpu.memory_space<semaphore_mem>>) src(%dma_wait3A_371 : memref<32768x64xf32, #tpu.memory_space<hbm>>) dst(%dma_wait3A_367 : memref<128x64xf32, #tpu.memory_space<vmem>>)
      %mul3A_372 = arith.constant 128 : i32
      %mul3A_373 = arith.muli %add3A_346, %mul3A_372 : i32
      %dma_start3A_374 = arith.constant 2 : i32
      %dma_start3A_375 = arith.constant 0 : i32
      %dma_start3A_376 = arith.constant 0 : i32
      %dma_start3A_377 = tpu.memref_slice %arg7[%dma_start3A_374, %dma_start3A_375, %dma_start3A_376] : memref<6x128x64xf32, #tpu.memory_space<vmem>> -> memref<1x128x64xf32, #tpu.memory_space<vmem>>
      %dma_start3A_378 = tpu.memref_squeeze %dma_start3A_377 : memref<1x128x64xf32, #tpu.memory_space<vmem>> -> memref<128x64xf32, #tpu.memory_space<vmem>>
      %dma_start3A_379 = arith.constant 0 : i32
      %dma_start3A_380 = tpu.memref_slice %arg4[%arg1, %arg0, %mul3A_373, %dma_start3A_379] : memref<16x2x32768x64xf32, #tpu.memory_space<hbm>> -> memref<1x1x128x64xf32, #tpu.memory_space<hbm>>
      %dma_start3A_381 = tpu.memref_squeeze %dma_start3A_380 : memref<1x1x128x64xf32, #tpu.memory_space<hbm>> -> memref<128x64xf32, #tpu.memory_space<hbm>>
      %dma_start3A_382 = arith.constant 0 : i32
      %dma_start3A_383 = tpu.memref_slice %arg4[%arg1, %arg0, %mul3A_373, %dma_start3A_382] : memref<16x2x32768x64xf32, #tpu.memory_space<hbm>> -> memref<1x1x128x64xf32, #tpu.memory_space<hbm>>
      %dma_start3A_384 = tpu.memref_squeeze %dma_start3A_383 : memref<1x1x128x64xf32, #tpu.memory_space<hbm>> -> memref<128x64xf32, #tpu.memory_space<hbm>>
      %dma_start3A_385 = arith.constant 0 : i32
      %dma_start3A_386 = arith.constant 0 : i32
      %dma_start3A_387 = tpu.memref_slice %arg7[%dma_start3A_374, %dma_start3A_385, %dma_start3A_386] : memref<6x128x64xf32, #tpu.memory_space<vmem>> -> memref<1x128x64xf32, #tpu.memory_space<vmem>>
      %dma_start3A_388 = tpu.memref_squeeze %dma_start3A_387 : memref<1x128x64xf32, #tpu.memory_space<vmem>> -> memref<128x64xf32, #tpu.memory_space<vmem>>
      tpu.enqueue_dma source(%dma_start3A_388 : memref<128x64xf32, #tpu.memory_space<vmem>>) target(%dma_start3A_384 : memref<128x64xf32, #tpu.memory_space<hbm>>) target_semaphore(%arg16 : memref<!tpu.dma_semaphore, #tpu.memory_space<semaphore_mem>>)
      %mul3A_389 = arith.constant 6 : i32
      %mul3A_390 = arith.muli %mul3A_389, %scan3A_256 : i32
      %add3A_391 = arith.constant 3 : i32
      %add3A_392 = arith.addi %mul3A_390, %add3A_391 : i32
      %ge3A_393 = arith.constant 1 : i32
      %ge3A_394 = arith.cmpi sge, %add3A_392, %ge3A_393 : i32
      %convert_element_type3A_395 = arith.extui %ge3A_394 : i1 to i32
      %cond3A_396 = arith.constant 0 : i32
      %cond3A_397 = arith.cmpi ne, %convert_element_type3A_395, %cond3A_396 : i32
      scf.if %cond3A_397 {
        %sub3A_527 = arith.constant 1 : i32
        %sub3A_528 = arith.subi %add3A_392, %sub3A_527 : i32
        %mul3A_529 = arith.constant 128 : i32
        %mul3A_530 = arith.muli %sub3A_528, %mul3A_529 : i32
        %dma_wait3A_531 = arith.constant 2 : i32
        %dma_wait3A_532 = arith.constant 0 : i32
        %dma_wait3A_533 = arith.constant 0 : i32
        %dma_wait3A_534 = tpu.memref_slice %arg7[%dma_wait3A_531, %dma_wait3A_532, %dma_wait3A_533] : memref<6x128x64xf32, #tpu.memory_space<vmem>> -> memref<1x128x64xf32, #tpu.memory_space<vmem>>
        %dma_wait3A_535 = tpu.memref_squeeze %dma_wait3A_534 : memref<1x128x64xf32, #tpu.memory_space<vmem>> -> memref<128x64xf32, #tpu.memory_space<vmem>>
        %dma_wait3A_536 = arith.constant 0 : i32
        %dma_wait3A_537 = tpu.memref_slice %arg4[%arg1, %arg0, %mul3A_530, %dma_wait3A_536] : memref<16x2x32768x64xf32, #tpu.memory_space<hbm>> -> memref<1x1x128x64xf32, #tpu.memory_space<hbm>>
        %dma_wait3A_538 = tpu.memref_squeeze %dma_wait3A_537 : memref<1x1x128x64xf32, #tpu.memory_space<hbm>> -> memref<128x64xf32, #tpu.memory_space<hbm>>
        %dma_wait3A_539 = arith.constant 0 : i32
        %dma_wait3A_540 = tpu.memref_slice %arg4[%arg1, %arg0, %mul3A_530, %dma_wait3A_539] : memref<16x2x32768x64xf32, #tpu.memory_space<hbm>> -> memref<1x1x128x64xf32, #tpu.memory_space<hbm>>
        %dma_wait3A_541 = tpu.memref_squeeze %dma_wait3A_540 : memref<1x1x128x64xf32, #tpu.memory_space<hbm>> -> memref<128x64xf32, #tpu.memory_space<hbm>>
        %dma_wait3A_542 = arith.constant 0 : i32
        %dma_wait3A_543 = arith.constant 0 : i32
        %dma_wait3A_544 = tpu.memref_slice %arg7[%dma_wait3A_531, %dma_wait3A_542, %dma_wait3A_543] : memref<6x128x64xf32, #tpu.memory_space<vmem>> -> memref<1x128x64xf32, #tpu.memory_space<vmem>>
        %dma_wait3A_545 = tpu.memref_squeeze %dma_wait3A_544 : memref<1x128x64xf32, #tpu.memory_space<vmem>> -> memref<128x64xf32, #tpu.memory_space<vmem>>
        tpu.wait_dma2 semaphore(%arg16 : memref<!tpu.dma_semaphore, #tpu.memory_space<semaphore_mem>>) src(%dma_wait3A_545 : memref<128x64xf32, #tpu.memory_space<vmem>>) dst(%dma_wait3A_541 : memref<128x64xf32, #tpu.memory_space<hbm>>)
      } else {
      }
      %add3A_398 = arith.constant 6 : i32
      %add3A_399 = arith.addi %add3A_392, %add3A_398 : i32
      %sub3A_400 = arith.constant 1 : i32
      %sub3A_401 = arith.subi %add3A_399, %sub3A_400 : i32
      %lt3A_402 = arith.constant 256 : i32
      %lt3A_403 = arith.cmpi slt, %sub3A_401, %lt3A_402 : i32
      %convert_element_type3A_404 = arith.extui %lt3A_403 : i1 to i32
      %cond3A_405 = arith.constant 0 : i32
      %cond3A_406 = arith.cmpi ne, %convert_element_type3A_404, %cond3A_405 : i32
      scf.if %cond3A_406 {
        %add3A_527 = arith.constant 6 : i32
        %add3A_528 = arith.addi %add3A_392, %add3A_527 : i32
        %sub3A_529 = arith.constant 1 : i32
        %sub3A_530 = arith.subi %add3A_528, %sub3A_529 : i32
        %mul3A_531 = arith.constant 128 : i32
        %mul3A_532 = arith.muli %sub3A_530, %mul3A_531 : i32
        %dma_start3A_533 = arith.constant 2 : i32
        %dma_start3A_534 = arith.constant 0 : i32
        %dma_start3A_535 = arith.constant 0 : i32
        %dma_start3A_536 = tpu.memref_slice %arg7[%dma_start3A_533, %dma_start3A_534, %dma_start3A_535] : memref<6x128x64xf32, #tpu.memory_space<vmem>> -> memref<1x128x64xf32, #tpu.memory_space<vmem>>
        %dma_start3A_537 = tpu.memref_squeeze %dma_start3A_536 : memref<1x128x64xf32, #tpu.memory_space<vmem>> -> memref<128x64xf32, #tpu.memory_space<vmem>>
        %dma_start3A_538 = tpu.memref_slice %arg6[%mul3A_532] : memref<32768xi32, #tpu.memory_space<vmem>> -> memref<128xi32, #tpu.memory_space<vmem>>
        %dma_start3A_539 = arith.constant 0 : i32
        %dma_start3A_540 = arith.constant 0 : i32
        %dma_start3A_541 = tpu.memref_slice %arg3[%dma_start3A_539, %dma_start3A_540] : memref<32768x64xf32, #tpu.memory_space<hbm>> -> memref<32768x64xf32, #tpu.memory_space<hbm>>
        tpu.enqueue_indirect_dma source(%dma_start3A_541 : memref<32768x64xf32, #tpu.memory_space<hbm>>) target(%dma_start3A_537 : memref<128x64xf32, #tpu.memory_space<vmem>>) offsets(%dma_start3A_538 : memref<128xi32, #tpu.memory_space<vmem>>) semaphore(%arg10 : memref<!tpu.dma_semaphore, #tpu.memory_space<semaphore_mem>>)
      } else {
      }
      %mul3A_407 = arith.constant 128 : i32
      %mul3A_408 = arith.muli %add3A_392, %mul3A_407 : i32
      %dma_wait3A_409 = arith.constant 3 : i32
      %dma_wait3A_410 = arith.constant 0 : i32
      %dma_wait3A_411 = arith.constant 0 : i32
      %dma_wait3A_412 = tpu.memref_slice %arg7[%dma_wait3A_409, %dma_wait3A_410, %dma_wait3A_411] : memref<6x128x64xf32, #tpu.memory_space<vmem>> -> memref<1x128x64xf32, #tpu.memory_space<vmem>>
      %dma_wait3A_413 = tpu.memref_squeeze %dma_wait3A_412 : memref<1x128x64xf32, #tpu.memory_space<vmem>> -> memref<128x64xf32, #tpu.memory_space<vmem>>
      %dma_wait3A_414 = tpu.memref_slice %arg6[%mul3A_408] : memref<32768xi32, #tpu.memory_space<vmem>> -> memref<128xi32, #tpu.memory_space<vmem>>
      %dma_wait3A_415 = arith.constant 0 : i32
      %dma_wait3A_416 = arith.constant 0 : i32
      %dma_wait3A_417 = tpu.memref_slice %arg3[%dma_wait3A_415, %dma_wait3A_416] : memref<32768x64xf32, #tpu.memory_space<hbm>> -> memref<32768x64xf32, #tpu.memory_space<hbm>>
      tpu.wait_indirect_dma semaphore(%arg11 : memref<!tpu.dma_semaphore, #tpu.memory_space<semaphore_mem>>) src(%dma_wait3A_417 : memref<32768x64xf32, #tpu.memory_space<hbm>>) dst(%dma_wait3A_413 : memref<128x64xf32, #tpu.memory_space<vmem>>)
      %mul3A_418 = arith.constant 128 : i32
      %mul3A_419 = arith.muli %add3A_392, %mul3A_418 : i32
      %dma_start3A_420 = arith.constant 3 : i32
      %dma_start3A_421 = arith.constant 0 : i32
      %dma_start3A_422 = arith.constant 0 : i32
      %dma_start3A_423 = tpu.memref_slice %arg7[%dma_start3A_420, %dma_start3A_421, %dma_start3A_422] : memref<6x128x64xf32, #tpu.memory_space<vmem>> -> memref<1x128x64xf32, #tpu.memory_space<vmem>>
      %dma_start3A_424 = tpu.memref_squeeze %dma_start3A_423 : memref<1x128x64xf32, #tpu.memory_space<vmem>> -> memref<128x64xf32, #tpu.memory_space<vmem>>
      %dma_start3A_425 = arith.constant 0 : i32
      %dma_start3A_426 = tpu.memref_slice %arg4[%arg1, %arg0, %mul3A_419, %dma_start3A_425] : memref<16x2x32768x64xf32, #tpu.memory_space<hbm>> -> memref<1x1x128x64xf32, #tpu.memory_space<hbm>>
      %dma_start3A_427 = tpu.memref_squeeze %dma_start3A_426 : memref<1x1x128x64xf32, #tpu.memory_space<hbm>> -> memref<128x64xf32, #tpu.memory_space<hbm>>
      %dma_start3A_428 = arith.constant 0 : i32
      %dma_start3A_429 = tpu.memref_slice %arg4[%arg1, %arg0, %mul3A_419, %dma_start3A_428] : memref<16x2x32768x64xf32, #tpu.memory_space<hbm>> -> memref<1x1x128x64xf32, #tpu.memory_space<hbm>>
      %dma_start3A_430 = tpu.memref_squeeze %dma_start3A_429 : memref<1x1x128x64xf32, #tpu.memory_space<hbm>> -> memref<128x64xf32, #tpu.memory_space<hbm>>
      %dma_start3A_431 = arith.constant 0 : i32
      %dma_start3A_432 = arith.constant 0 : i32
      %dma_start3A_433 = tpu.memref_slice %arg7[%dma_start3A_420, %dma_start3A_431, %dma_start3A_432] : memref<6x128x64xf32, #tpu.memory_space<vmem>> -> memref<1x128x64xf32, #tpu.memory_space<vmem>>
      %dma_start3A_434 = tpu.memref_squeeze %dma_start3A_433 : memref<1x128x64xf32, #tpu.memory_space<vmem>> -> memref<128x64xf32, #tpu.memory_space<vmem>>
      tpu.enqueue_dma source(%dma_start3A_434 : memref<128x64xf32, #tpu.memory_space<vmem>>) target(%dma_start3A_430 : memref<128x64xf32, #tpu.memory_space<hbm>>) target_semaphore(%arg17 : memref<!tpu.dma_semaphore, #tpu.memory_space<semaphore_mem>>)
      %mul3A_435 = arith.constant 6 : i32
      %mul3A_436 = arith.muli %mul3A_435, %scan3A_256 : i32
      %add3A_437 = arith.constant 4 : i32
      %add3A_438 = arith.addi %mul3A_436, %add3A_437 : i32
      %ge3A_439 = arith.constant 1 : i32
      %ge3A_440 = arith.cmpi sge, %add3A_438, %ge3A_439 : i32
      %convert_element_type3A_441 = arith.extui %ge3A_440 : i1 to i32
      %cond3A_442 = arith.constant 0 : i32
      %cond3A_443 = arith.cmpi ne, %convert_element_type3A_441, %cond3A_442 : i32
      scf.if %cond3A_443 {
        %sub3A_527 = arith.constant 1 : i32
        %sub3A_528 = arith.subi %add3A_438, %sub3A_527 : i32
        %mul3A_529 = arith.constant 128 : i32
        %mul3A_530 = arith.muli %sub3A_528, %mul3A_529 : i32
        %dma_wait3A_531 = arith.constant 3 : i32
        %dma_wait3A_532 = arith.constant 0 : i32
        %dma_wait3A_533 = arith.constant 0 : i32
        %dma_wait3A_534 = tpu.memref_slice %arg7[%dma_wait3A_531, %dma_wait3A_532, %dma_wait3A_533] : memref<6x128x64xf32, #tpu.memory_space<vmem>> -> memref<1x128x64xf32, #tpu.memory_space<vmem>>
        %dma_wait3A_535 = tpu.memref_squeeze %dma_wait3A_534 : memref<1x128x64xf32, #tpu.memory_space<vmem>> -> memref<128x64xf32, #tpu.memory_space<vmem>>
        %dma_wait3A_536 = arith.constant 0 : i32
        %dma_wait3A_537 = tpu.memref_slice %arg4[%arg1, %arg0, %mul3A_530, %dma_wait3A_536] : memref<16x2x32768x64xf32, #tpu.memory_space<hbm>> -> memref<1x1x128x64xf32, #tpu.memory_space<hbm>>
        %dma_wait3A_538 = tpu.memref_squeeze %dma_wait3A_537 : memref<1x1x128x64xf32, #tpu.memory_space<hbm>> -> memref<128x64xf32, #tpu.memory_space<hbm>>
        %dma_wait3A_539 = arith.constant 0 : i32
        %dma_wait3A_540 = tpu.memref_slice %arg4[%arg1, %arg0, %mul3A_530, %dma_wait3A_539] : memref<16x2x32768x64xf32, #tpu.memory_space<hbm>> -> memref<1x1x128x64xf32, #tpu.memory_space<hbm>>
        %dma_wait3A_541 = tpu.memref_squeeze %dma_wait3A_540 : memref<1x1x128x64xf32, #tpu.memory_space<hbm>> -> memref<128x64xf32, #tpu.memory_space<hbm>>
        %dma_wait3A_542 = arith.constant 0 : i32
        %dma_wait3A_543 = arith.constant 0 : i32
        %dma_wait3A_544 = tpu.memref_slice %arg7[%dma_wait3A_531, %dma_wait3A_542, %dma_wait3A_543] : memref<6x128x64xf32, #tpu.memory_space<vmem>> -> memref<1x128x64xf32, #tpu.memory_space<vmem>>
        %dma_wait3A_545 = tpu.memref_squeeze %dma_wait3A_544 : memref<1x128x64xf32, #tpu.memory_space<vmem>> -> memref<128x64xf32, #tpu.memory_space<vmem>>
        tpu.wait_dma2 semaphore(%arg17 : memref<!tpu.dma_semaphore, #tpu.memory_space<semaphore_mem>>) src(%dma_wait3A_545 : memref<128x64xf32, #tpu.memory_space<vmem>>) dst(%dma_wait3A_541 : memref<128x64xf32, #tpu.memory_space<hbm>>)
      } else {
      }
      %add3A_444 = arith.constant 6 : i32
      %add3A_445 = arith.addi %add3A_438, %add3A_444 : i32
      %sub3A_446 = arith.constant 1 : i32
      %sub3A_447 = arith.subi %add3A_445, %sub3A_446 : i32
      %lt3A_448 = arith.constant 256 : i32
      %lt3A_449 = arith.cmpi slt, %sub3A_447, %lt3A_448 : i32
      %convert_element_type3A_450 = arith.extui %lt3A_449 : i1 to i32
      %cond3A_451 = arith.constant 0 : i32
      %cond3A_452 = arith.cmpi ne, %convert_element_type3A_450, %cond3A_451 : i32
      scf.if %cond3A_452 {
        %add3A_527 = arith.constant 6 : i32
        %add3A_528 = arith.addi %add3A_438, %add3A_527 : i32
        %sub3A_529 = arith.constant 1 : i32
        %sub3A_530 = arith.subi %add3A_528, %sub3A_529 : i32
        %mul3A_531 = arith.constant 128 : i32
        %mul3A_532 = arith.muli %sub3A_530, %mul3A_531 : i32
        %dma_start3A_533 = arith.constant 3 : i32
        %dma_start3A_534 = arith.constant 0 : i32
        %dma_start3A_535 = arith.constant 0 : i32
        %dma_start3A_536 = tpu.memref_slice %arg7[%dma_start3A_533, %dma_start3A_534, %dma_start3A_535] : memref<6x128x64xf32, #tpu.memory_space<vmem>> -> memref<1x128x64xf32, #tpu.memory_space<vmem>>
        %dma_start3A_537 = tpu.memref_squeeze %dma_start3A_536 : memref<1x128x64xf32, #tpu.memory_space<vmem>> -> memref<128x64xf32, #tpu.memory_space<vmem>>
        %dma_start3A_538 = tpu.memref_slice %arg6[%mul3A_532] : memref<32768xi32, #tpu.memory_space<vmem>> -> memref<128xi32, #tpu.memory_space<vmem>>
        %dma_start3A_539 = arith.constant 0 : i32
        %dma_start3A_540 = arith.constant 0 : i32
        %dma_start3A_541 = tpu.memref_slice %arg3[%dma_start3A_539, %dma_start3A_540] : memref<32768x64xf32, #tpu.memory_space<hbm>> -> memref<32768x64xf32, #tpu.memory_space<hbm>>
        tpu.enqueue_indirect_dma source(%dma_start3A_541 : memref<32768x64xf32, #tpu.memory_space<hbm>>) target(%dma_start3A_537 : memref<128x64xf32, #tpu.memory_space<vmem>>) offsets(%dma_start3A_538 : memref<128xi32, #tpu.memory_space<vmem>>) semaphore(%arg11 : memref<!tpu.dma_semaphore, #tpu.memory_space<semaphore_mem>>)
      } else {
      }
      %mul3A_453 = arith.constant 128 : i32
      %mul3A_454 = arith.muli %add3A_438, %mul3A_453 : i32
      %dma_wait3A_455 = arith.constant 4 : i32
      %dma_wait3A_456 = arith.constant 0 : i32
      %dma_wait3A_457 = arith.constant 0 : i32
      %dma_wait3A_458 = tpu.memref_slice %arg7[%dma_wait3A_455, %dma_wait3A_456, %dma_wait3A_457] : memref<6x128x64xf32, #tpu.memory_space<vmem>> -> memref<1x128x64xf32, #tpu.memory_space<vmem>>
      %dma_wait3A_459 = tpu.memref_squeeze %dma_wait3A_458 : memref<1x128x64xf32, #tpu.memory_space<vmem>> -> memref<128x64xf32, #tpu.memory_space<vmem>>
      %dma_wait3A_460 = tpu.memref_slice %arg6[%mul3A_454] : memref<32768xi32, #tpu.memory_space<vmem>> -> memref<128xi32, #tpu.memory_space<vmem>>
      %dma_wait3A_461 = arith.constant 0 : i32
      %dma_wait3A_462 = arith.constant 0 : i32
      %dma_wait3A_463 = tpu.memref_slice %arg3[%dma_wait3A_461, %dma_wait3A_462] : memref<32768x64xf32, #tpu.memory_space<hbm>> -> memref<32768x64xf32, #tpu.memory_space<hbm>>
      tpu.wait_indirect_dma semaphore(%arg12 : memref<!tpu.dma_semaphore, #tpu.memory_space<semaphore_mem>>) src(%dma_wait3A_463 : memref<32768x64xf32, #tpu.memory_space<hbm>>) dst(%dma_wait3A_459 : memref<128x64xf32, #tpu.memory_space<vmem>>)
      %mul3A_464 = arith.constant 128 : i32
      %mul3A_465 = arith.muli %add3A_438, %mul3A_464 : i32
      %dma_start3A_466 = arith.constant 4 : i32
      %dma_start3A_467 = arith.constant 0 : i32
      %dma_start3A_468 = arith.constant 0 : i32
      %dma_start3A_469 = tpu.memref_slice %arg7[%dma_start3A_466, %dma_start3A_467, %dma_start3A_468] : memref<6x128x64xf32, #tpu.memory_space<vmem>> -> memref<1x128x64xf32, #tpu.memory_space<vmem>>
      %dma_start3A_470 = tpu.memref_squeeze %dma_start3A_469 : memref<1x128x64xf32, #tpu.memory_space<vmem>> -> memref<128x64xf32, #tpu.memory_space<vmem>>
      %dma_start3A_471 = arith.constant 0 : i32
      %dma_start3A_472 = tpu.memref_slice %arg4[%arg1, %arg0, %mul3A_465, %dma_start3A_471] : memref<16x2x32768x64xf32, #tpu.memory_space<hbm>> -> memref<1x1x128x64xf32, #tpu.memory_space<hbm>>
      %dma_start3A_473 = tpu.memref_squeeze %dma_start3A_472 : memref<1x1x128x64xf32, #tpu.memory_space<hbm>> -> memref<128x64xf32, #tpu.memory_space<hbm>>
      %dma_start3A_474 = arith.constant 0 : i32
      %dma_start3A_475 = tpu.memref_slice %arg4[%arg1, %arg0, %mul3A_465, %dma_start3A_474] : memref<16x2x32768x64xf32, #tpu.memory_space<hbm>> -> memref<1x1x128x64xf32, #tpu.memory_space<hbm>>
      %dma_start3A_476 = tpu.memref_squeeze %dma_start3A_475 : memref<1x1x128x64xf32, #tpu.memory_space<hbm>> -> memref<128x64xf32, #tpu.memory_space<hbm>>
      %dma_start3A_477 = arith.constant 0 : i32
      %dma_start3A_478 = arith.constant 0 : i32
      %dma_start3A_479 = tpu.memref_slice %arg7[%dma_start3A_466, %dma_start3A_477, %dma_start3A_478] : memref<6x128x64xf32, #tpu.memory_space<vmem>> -> memref<1x128x64xf32, #tpu.memory_space<vmem>>
      %dma_start3A_480 = tpu.memref_squeeze %dma_start3A_479 : memref<1x128x64xf32, #tpu.memory_space<vmem>> -> memref<128x64xf32, #tpu.memory_space<vmem>>
      tpu.enqueue_dma source(%dma_start3A_480 : memref<128x64xf32, #tpu.memory_space<vmem>>) target(%dma_start3A_476 : memref<128x64xf32, #tpu.memory_space<hbm>>) target_semaphore(%arg18 : memref<!tpu.dma_semaphore, #tpu.memory_space<semaphore_mem>>)
      %mul3A_481 = arith.constant 6 : i32
      %mul3A_482 = arith.muli %mul3A_481, %scan3A_256 : i32
      %add3A_483 = arith.constant 5 : i32
      %add3A_484 = arith.addi %mul3A_482, %add3A_483 : i32
      %ge3A_485 = arith.constant 1 : i32
      %ge3A_486 = arith.cmpi sge, %add3A_484, %ge3A_485 : i32
      %convert_element_type3A_487 = arith.extui %ge3A_486 : i1 to i32
      %cond3A_488 = arith.constant 0 : i32
      %cond3A_489 = arith.cmpi ne, %convert_element_type3A_487, %cond3A_488 : i32
      scf.if %cond3A_489 {
        %sub3A_527 = arith.constant 1 : i32
        %sub3A_528 = arith.subi %add3A_484, %sub3A_527 : i32
        %mul3A_529 = arith.constant 128 : i32
        %mul3A_530 = arith.muli %sub3A_528, %mul3A_529 : i32
        %dma_wait3A_531 = arith.constant 4 : i32
        %dma_wait3A_532 = arith.constant 0 : i32
        %dma_wait3A_533 = arith.constant 0 : i32
        %dma_wait3A_534 = tpu.memref_slice %arg7[%dma_wait3A_531, %dma_wait3A_532, %dma_wait3A_533] : memref<6x128x64xf32, #tpu.memory_space<vmem>> -> memref<1x128x64xf32, #tpu.memory_space<vmem>>
        %dma_wait3A_535 = tpu.memref_squeeze %dma_wait3A_534 : memref<1x128x64xf32, #tpu.memory_space<vmem>> -> memref<128x64xf32, #tpu.memory_space<vmem>>
        %dma_wait3A_536 = arith.constant 0 : i32
        %dma_wait3A_537 = tpu.memref_slice %arg4[%arg1, %arg0, %mul3A_530, %dma_wait3A_536] : memref<16x2x32768x64xf32, #tpu.memory_space<hbm>> -> memref<1x1x128x64xf32, #tpu.memory_space<hbm>>
        %dma_wait3A_538 = tpu.memref_squeeze %dma_wait3A_537 : memref<1x1x128x64xf32, #tpu.memory_space<hbm>> -> memref<128x64xf32, #tpu.memory_space<hbm>>
        %dma_wait3A_539 = arith.constant 0 : i32
        %dma_wait3A_540 = tpu.memref_slice %arg4[%arg1, %arg0, %mul3A_530, %dma_wait3A_539] : memref<16x2x32768x64xf32, #tpu.memory_space<hbm>> -> memref<1x1x128x64xf32, #tpu.memory_space<hbm>>
        %dma_wait3A_541 = tpu.memref_squeeze %dma_wait3A_540 : memref<1x1x128x64xf32, #tpu.memory_space<hbm>> -> memref<128x64xf32, #tpu.memory_space<hbm>>
        %dma_wait3A_542 = arith.constant 0 : i32
        %dma_wait3A_543 = arith.constant 0 : i32
        %dma_wait3A_544 = tpu.memref_slice %arg7[%dma_wait3A_531, %dma_wait3A_542, %dma_wait3A_543] : memref<6x128x64xf32, #tpu.memory_space<vmem>> -> memref<1x128x64xf32, #tpu.memory_space<vmem>>
        %dma_wait3A_545 = tpu.memref_squeeze %dma_wait3A_544 : memref<1x128x64xf32, #tpu.memory_space<vmem>> -> memref<128x64xf32, #tpu.memory_space<vmem>>
        tpu.wait_dma2 semaphore(%arg18 : memref<!tpu.dma_semaphore, #tpu.memory_space<semaphore_mem>>) src(%dma_wait3A_545 : memref<128x64xf32, #tpu.memory_space<vmem>>) dst(%dma_wait3A_541 : memref<128x64xf32, #tpu.memory_space<hbm>>)
      } else {
      }
      %add3A_490 = arith.constant 6 : i32
      %add3A_491 = arith.addi %add3A_484, %add3A_490 : i32
      %sub3A_492 = arith.constant 1 : i32
      %sub3A_493 = arith.subi %add3A_491, %sub3A_492 : i32
      %lt3A_494 = arith.constant 256 : i32
      %lt3A_495 = arith.cmpi slt, %sub3A_493, %lt3A_494 : i32
      %convert_element_type3A_496 = arith.extui %lt3A_495 : i1 to i32
      %cond3A_497 = arith.constant 0 : i32
      %cond3A_498 = arith.cmpi ne, %convert_element_type3A_496, %cond3A_497 : i32
      scf.if %cond3A_498 {
        %add3A_527 = arith.constant 6 : i32
        %add3A_528 = arith.addi %add3A_484, %add3A_527 : i32
        %sub3A_529 = arith.constant 1 : i32
        %sub3A_530 = arith.subi %add3A_528, %sub3A_529 : i32
        %mul3A_531 = arith.constant 128 : i32
        %mul3A_532 = arith.muli %sub3A_530, %mul3A_531 : i32
        %dma_start3A_533 = arith.constant 4 : i32
        %dma_start3A_534 = arith.constant 0 : i32
        %dma_start3A_535 = arith.constant 0 : i32
        %dma_start3A_536 = tpu.memref_slice %arg7[%dma_start3A_533, %dma_start3A_534, %dma_start3A_535] : memref<6x128x64xf32, #tpu.memory_space<vmem>> -> memref<1x128x64xf32, #tpu.memory_space<vmem>>
        %dma_start3A_537 = tpu.memref_squeeze %dma_start3A_536 : memref<1x128x64xf32, #tpu.memory_space<vmem>> -> memref<128x64xf32, #tpu.memory_space<vmem>>
        %dma_start3A_538 = tpu.memref_slice %arg6[%mul3A_532] : memref<32768xi32, #tpu.memory_space<vmem>> -> memref<128xi32, #tpu.memory_space<vmem>>
        %dma_start3A_539 = arith.constant 0 : i32
        %dma_start3A_540 = arith.constant 0 : i32
        %dma_start3A_541 = tpu.memref_slice %arg3[%dma_start3A_539, %dma_start3A_540] : memref<32768x64xf32, #tpu.memory_space<hbm>> -> memref<32768x64xf32, #tpu.memory_space<hbm>>
        tpu.enqueue_indirect_dma source(%dma_start3A_541 : memref<32768x64xf32, #tpu.memory_space<hbm>>) target(%dma_start3A_537 : memref<128x64xf32, #tpu.memory_space<vmem>>) offsets(%dma_start3A_538 : memref<128xi32, #tpu.memory_space<vmem>>) semaphore(%arg12 : memref<!tpu.dma_semaphore, #tpu.memory_space<semaphore_mem>>)
      } else {
      }
      %mul3A_499 = arith.constant 128 : i32
      %mul3A_500 = arith.muli %add3A_484, %mul3A_499 : i32
      %dma_wait3A_501 = arith.constant 5 : i32
      %dma_wait3A_502 = arith.constant 0 : i32
      %dma_wait3A_503 = arith.constant 0 : i32
      %dma_wait3A_504 = tpu.memref_slice %arg7[%dma_wait3A_501, %dma_wait3A_502, %dma_wait3A_503] : memref<6x128x64xf32, #tpu.memory_space<vmem>> -> memref<1x128x64xf32, #tpu.memory_space<vmem>>
      %dma_wait3A_505 = tpu.memref_squeeze %dma_wait3A_504 : memref<1x128x64xf32, #tpu.memory_space<vmem>> -> memref<128x64xf32, #tpu.memory_space<vmem>>
      %dma_wait3A_506 = tpu.memref_slice %arg6[%mul3A_500] : memref<32768xi32, #tpu.memory_space<vmem>> -> memref<128xi32, #tpu.memory_space<vmem>>
      %dma_wait3A_507 = arith.constant 0 : i32
      %dma_wait3A_508 = arith.constant 0 : i32
      %dma_wait3A_509 = tpu.memref_slice %arg3[%dma_wait3A_507, %dma_wait3A_508] : memref<32768x64xf32, #tpu.memory_space<hbm>> -> memref<32768x64xf32, #tpu.memory_space<hbm>>
      tpu.wait_indirect_dma semaphore(%arg13 : memref<!tpu.dma_semaphore, #tpu.memory_space<semaphore_mem>>) src(%dma_wait3A_509 : memref<32768x64xf32, #tpu.memory_space<hbm>>) dst(%dma_wait3A_505 : memref<128x64xf32, #tpu.memory_space<vmem>>)
      %mul3A_510 = arith.constant 128 : i32
      %mul3A_511 = arith.muli %add3A_484, %mul3A_510 : i32
      %dma_start3A_512 = arith.constant 5 : i32
      %dma_start3A_513 = arith.constant 0 : i32
      %dma_start3A_514 = arith.constant 0 : i32
      %dma_start3A_515 = tpu.memref_slice %arg7[%dma_start3A_512, %dma_start3A_513, %dma_start3A_514] : memref<6x128x64xf32, #tpu.memory_space<vmem>> -> memref<1x128x64xf32, #tpu.memory_space<vmem>>
      %dma_start3A_516 = tpu.memref_squeeze %dma_start3A_515 : memref<1x128x64xf32, #tpu.memory_space<vmem>> -> memref<128x64xf32, #tpu.memory_space<vmem>>
      %dma_start3A_517 = arith.constant 0 : i32
      %dma_start3A_518 = tpu.memref_slice %arg4[%arg1, %arg0, %mul3A_511, %dma_start3A_517] : memref<16x2x32768x64xf32, #tpu.memory_space<hbm>> -> memref<1x1x128x64xf32, #tpu.memory_space<hbm>>
      %dma_start3A_519 = tpu.memref_squeeze %dma_start3A_518 : memref<1x1x128x64xf32, #tpu.memory_space<hbm>> -> memref<128x64xf32, #tpu.memory_space<hbm>>
      %dma_start3A_520 = arith.constant 0 : i32
      %dma_start3A_521 = tpu.memref_slice %arg4[%arg1, %arg0, %mul3A_511, %dma_start3A_520] : memref<16x2x32768x64xf32, #tpu.memory_space<hbm>> -> memref<1x1x128x64xf32, #tpu.memory_space<hbm>>
      %dma_start3A_522 = tpu.memref_squeeze %dma_start3A_521 : memref<1x1x128x64xf32, #tpu.memory_space<hbm>> -> memref<128x64xf32, #tpu.memory_space<hbm>>
      %dma_start3A_523 = arith.constant 0 : i32
      %dma_start3A_524 = arith.constant 0 : i32
      %dma_start3A_525 = tpu.memref_slice %arg7[%dma_start3A_512, %dma_start3A_523, %dma_start3A_524] : memref<6x128x64xf32, #tpu.memory_space<vmem>> -> memref<1x128x64xf32, #tpu.memory_space<vmem>>
      %dma_start3A_526 = tpu.memref_squeeze %dma_start3A_525 : memref<1x128x64xf32, #tpu.memory_space<vmem>> -> memref<128x64xf32, #tpu.memory_space<vmem>>
      tpu.enqueue_dma source(%dma_start3A_526 : memref<128x64xf32, #tpu.memory_space<vmem>>) target(%dma_start3A_522 : memref<128x64xf32, #tpu.memory_space<hbm>>) target_semaphore(%arg19 : memref<!tpu.dma_semaphore, #tpu.memory_space<semaphore_mem>>)
    }
    %scan3A_63 = arith.constant 42 : i32
    %dma_wait3A = arith.constant 5 : i32
    %dma_wait3A_64 = arith.constant 0 : i32
    %dma_wait3A_65 = arith.constant 0 : i32
    %dma_wait3A_66 = tpu.memref_slice %arg7[%dma_wait3A, %dma_wait3A_64, %dma_wait3A_65] : memref<6x128x64xf32, #tpu.memory_space<vmem>> -> memref<1x128x64xf32, #tpu.memory_space<vmem>>
    %dma_wait3A_67 = tpu.memref_squeeze %dma_wait3A_66 : memref<1x128x64xf32, #tpu.memory_space<vmem>> -> memref<128x64xf32, #tpu.memory_space<vmem>>
    %dma_wait3A_68 = arith.constant 32128 : i32
    %dma_wait3A_69 = arith.constant 0 : i32
    %dma_wait3A_70 = tpu.memref_slice %arg4[%arg1, %arg0, %dma_wait3A_68, %dma_wait3A_69] : memref<16x2x32768x64xf32, #tpu.memory_space<hbm>> -> memref<1x1x128x64xf32, #tpu.memory_space<hbm>>
    %dma_wait3A_71 = tpu.memref_squeeze %dma_wait3A_70 : memref<1x1x128x64xf32, #tpu.memory_space<hbm>> -> memref<128x64xf32, #tpu.memory_space<hbm>>
    %dma_wait3A_72 = arith.constant 32128 : i32
    %dma_wait3A_73 = arith.constant 0 : i32
    %dma_wait3A_74 = tpu.memref_slice %arg4[%arg1, %arg0, %dma_wait3A_72, %dma_wait3A_73] : memref<16x2x32768x64xf32, #tpu.memory_space<hbm>> -> memref<1x1x128x64xf32, #tpu.memory_space<hbm>>
    %dma_wait3A_75 = tpu.memref_squeeze %dma_wait3A_74 : memref<1x1x128x64xf32, #tpu.memory_space<hbm>> -> memref<128x64xf32, #tpu.memory_space<hbm>>
    %dma_wait3A_76 = arith.constant 0 : i32
    %dma_wait3A_77 = arith.constant 0 : i32
    %dma_wait3A_78 = tpu.memref_slice %arg7[%dma_wait3A, %dma_wait3A_76, %dma_wait3A_77] : memref<6x128x64xf32, #tpu.memory_space<vmem>> -> memref<1x128x64xf32, #tpu.memory_space<vmem>>
    %dma_wait3A_79 = tpu.memref_squeeze %dma_wait3A_78 : memref<1x128x64xf32, #tpu.memory_space<vmem>> -> memref<128x64xf32, #tpu.memory_space<vmem>>
    tpu.wait_dma2 semaphore(%arg19 : memref<!tpu.dma_semaphore, #tpu.memory_space<semaphore_mem>>) src(%dma_wait3A_79 : memref<128x64xf32, #tpu.memory_space<vmem>>) dst(%dma_wait3A_75 : memref<128x64xf32, #tpu.memory_space<hbm>>)
    %dma_wait3A_80 = arith.constant 0 : i32
    %dma_wait3A_81 = arith.constant 0 : i32
    %dma_wait3A_82 = arith.constant 0 : i32
    %dma_wait3A_83 = tpu.memref_slice %arg7[%dma_wait3A_80, %dma_wait3A_81, %dma_wait3A_82] : memref<6x128x64xf32, #tpu.memory_space<vmem>> -> memref<1x128x64xf32, #tpu.memory_space<vmem>>
    %dma_wait3A_84 = tpu.memref_squeeze %dma_wait3A_83 : memref<1x128x64xf32, #tpu.memory_space<vmem>> -> memref<128x64xf32, #tpu.memory_space<vmem>>
    %dma_wait3A_85 = arith.constant 32256 : i32
    %dma_wait3A_86 = tpu.memref_slice %arg6[%dma_wait3A_85] : memref<32768xi32, #tpu.memory_space<vmem>> -> memref<128xi32, #tpu.memory_space<vmem>>
    %dma_wait3A_87 = arith.constant 0 : i32
    %dma_wait3A_88 = arith.constant 0 : i32
    %dma_wait3A_89 = tpu.memref_slice %arg3[%dma_wait3A_87, %dma_wait3A_88] : memref<32768x64xf32, #tpu.memory_space<hbm>> -> memref<32768x64xf32, #tpu.memory_space<hbm>>
    tpu.wait_indirect_dma semaphore(%arg8 : memref<!tpu.dma_semaphore, #tpu.memory_space<semaphore_mem>>) src(%dma_wait3A_89 : memref<32768x64xf32, #tpu.memory_space<hbm>>) dst(%dma_wait3A_84 : memref<128x64xf32, #tpu.memory_space<vmem>>)
    %dma_start3A_90 = arith.constant 0 : i32
    %dma_start3A_91 = arith.constant 0 : i32
    %dma_start3A_92 = arith.constant 0 : i32
    %dma_start3A_93 = tpu.memref_slice %arg7[%dma_start3A_90, %dma_start3A_91, %dma_start3A_92] : memref<6x128x64xf32, #tpu.memory_space<vmem>> -> memref<1x128x64xf32, #tpu.memory_space<vmem>>
    %dma_start3A_94 = tpu.memref_squeeze %dma_start3A_93 : memref<1x128x64xf32, #tpu.memory_space<vmem>> -> memref<128x64xf32, #tpu.memory_space<vmem>>
    %dma_start3A_95 = arith.constant 32256 : i32
    %dma_start3A_96 = arith.constant 0 : i32
    %dma_start3A_97 = tpu.memref_slice %arg4[%arg1, %arg0, %dma_start3A_95, %dma_start3A_96] : memref<16x2x32768x64xf32, #tpu.memory_space<hbm>> -> memref<1x1x128x64xf32, #tpu.memory_space<hbm>>
    %dma_start3A_98 = tpu.memref_squeeze %dma_start3A_97 : memref<1x1x128x64xf32, #tpu.memory_space<hbm>> -> memref<128x64xf32, #tpu.memory_space<hbm>>
    %dma_start3A_99 = arith.constant 32256 : i32
    %dma_start3A_100 = arith.constant 0 : i32
    %dma_start3A_101 = tpu.memref_slice %arg4[%arg1, %arg0, %dma_start3A_99, %dma_start3A_100] : memref<16x2x32768x64xf32, #tpu.memory_space<hbm>> -> memref<1x1x128x64xf32, #tpu.memory_space<hbm>>
    %dma_start3A_102 = tpu.memref_squeeze %dma_start3A_101 : memref<1x1x128x64xf32, #tpu.memory_space<hbm>> -> memref<128x64xf32, #tpu.memory_space<hbm>>
    %dma_start3A_103 = arith.constant 0 : i32
    %dma_start3A_104 = arith.constant 0 : i32
    %dma_start3A_105 = tpu.memref_slice %arg7[%dma_start3A_90, %dma_start3A_103, %dma_start3A_104] : memref<6x128x64xf32, #tpu.memory_space<vmem>> -> memref<1x128x64xf32, #tpu.memory_space<vmem>>
    %dma_start3A_106 = tpu.memref_squeeze %dma_start3A_105 : memref<1x128x64xf32, #tpu.memory_space<vmem>> -> memref<128x64xf32, #tpu.memory_space<vmem>>
    tpu.enqueue_dma source(%dma_start3A_106 : memref<128x64xf32, #tpu.memory_space<vmem>>) target(%dma_start3A_102 : memref<128x64xf32, #tpu.memory_space<hbm>>) target_semaphore(%arg14 : memref<!tpu.dma_semaphore, #tpu.memory_space<semaphore_mem>>)
    %dma_wait3A_107 = arith.constant 0 : i32
    %dma_wait3A_108 = arith.constant 0 : i32
    %dma_wait3A_109 = arith.constant 0 : i32
    %dma_wait3A_110 = tpu.memref_slice %arg7[%dma_wait3A_107, %dma_wait3A_108, %dma_wait3A_109] : memref<6x128x64xf32, #tpu.memory_space<vmem>> -> memref<1x128x64xf32, #tpu.memory_space<vmem>>
    %dma_wait3A_111 = tpu.memref_squeeze %dma_wait3A_110 : memref<1x128x64xf32, #tpu.memory_space<vmem>> -> memref<128x64xf32, #tpu.memory_space<vmem>>
    %dma_wait3A_112 = arith.constant 32256 : i32
    %dma_wait3A_113 = arith.constant 0 : i32
    %dma_wait3A_114 = tpu.memref_slice %arg4[%arg1, %arg0, %dma_wait3A_112, %dma_wait3A_113] : memref<16x2x32768x64xf32, #tpu.memory_space<hbm>> -> memref<1x1x128x64xf32, #tpu.memory_space<hbm>>
    %dma_wait3A_115 = tpu.memref_squeeze %dma_wait3A_114 : memref<1x1x128x64xf32, #tpu.memory_space<hbm>> -> memref<128x64xf32, #tpu.memory_space<hbm>>
    %dma_wait3A_116 = arith.constant 32256 : i32
    %dma_wait3A_117 = arith.constant 0 : i32
    %dma_wait3A_118 = tpu.memref_slice %arg4[%arg1, %arg0, %dma_wait3A_116, %dma_wait3A_117] : memref<16x2x32768x64xf32, #tpu.memory_space<hbm>> -> memref<1x1x128x64xf32, #tpu.memory_space<hbm>>
    %dma_wait3A_119 = tpu.memref_squeeze %dma_wait3A_118 : memref<1x1x128x64xf32, #tpu.memory_space<hbm>> -> memref<128x64xf32, #tpu.memory_space<hbm>>
    %dma_wait3A_120 = arith.constant 0 : i32
    %dma_wait3A_121 = arith.constant 0 : i32
    %dma_wait3A_122 = tpu.memref_slice %arg7[%dma_wait3A_107, %dma_wait3A_120, %dma_wait3A_121] : memref<6x128x64xf32, #tpu.memory_space<vmem>> -> memref<1x128x64xf32, #tpu.memory_space<vmem>>
    %dma_wait3A_123 = tpu.memref_squeeze %dma_wait3A_122 : memref<1x128x64xf32, #tpu.memory_space<vmem>> -> memref<128x64xf32, #tpu.memory_space<vmem>>
    tpu.wait_dma2 semaphore(%arg14 : memref<!tpu.dma_semaphore, #tpu.memory_space<semaphore_mem>>) src(%dma_wait3A_123 : memref<128x64xf32, #tpu.memory_space<vmem>>) dst(%dma_wait3A_119 : memref<128x64xf32, #tpu.memory_space<hbm>>)
    %dma_wait3A_124 = arith.constant 1 : i32
    %dma_wait3A_125 = arith.constant 0 : i32
    %dma_wait3A_126 = arith.constant 0 : i32
    %dma_wait3A_127 = tpu.memref_slice %arg7[%dma_wait3A_124, %dma_wait3A_125, %dma_wait3A_126] : memref<6x128x64xf32, #tpu.memory_space<vmem>> -> memref<1x128x64xf32, #tpu.memory_space<vmem>>
    %dma_wait3A_128 = tpu.memref_squeeze %dma_wait3A_127 : memref<1x128x64xf32, #tpu.memory_space<vmem>> -> memref<128x64xf32, #tpu.memory_space<vmem>>
    %dma_wait3A_129 = arith.constant 32384 : i32
    %dma_wait3A_130 = tpu.memref_slice %arg6[%dma_wait3A_129] : memref<32768xi32, #tpu.memory_space<vmem>> -> memref<128xi32, #tpu.memory_space<vmem>>
    %dma_wait3A_131 = arith.constant 0 : i32
    %dma_wait3A_132 = arith.constant 0 : i32
    %dma_wait3A_133 = tpu.memref_slice %arg3[%dma_wait3A_131, %dma_wait3A_132] : memref<32768x64xf32, #tpu.memory_space<hbm>> -> memref<32768x64xf32, #tpu.memory_space<hbm>>
    tpu.wait_indirect_dma semaphore(%arg9 : memref<!tpu.dma_semaphore, #tpu.memory_space<semaphore_mem>>) src(%dma_wait3A_133 : memref<32768x64xf32, #tpu.memory_space<hbm>>) dst(%dma_wait3A_128 : memref<128x64xf32, #tpu.memory_space<vmem>>)
    %dma_start3A_134 = arith.constant 1 : i32
    %dma_start3A_135 = arith.constant 0 : i32
    %dma_start3A_136 = arith.constant 0 : i32
    %dma_start3A_137 = tpu.memref_slice %arg7[%dma_start3A_134, %dma_start3A_135, %dma_start3A_136] : memref<6x128x64xf32, #tpu.memory_space<vmem>> -> memref<1x128x64xf32, #tpu.memory_space<vmem>>
    %dma_start3A_138 = tpu.memref_squeeze %dma_start3A_137 : memref<1x128x64xf32, #tpu.memory_space<vmem>> -> memref<128x64xf32, #tpu.memory_space<vmem>>
    %dma_start3A_139 = arith.constant 32384 : i32
    %dma_start3A_140 = arith.constant 0 : i32
    %dma_start3A_141 = tpu.memref_slice %arg4[%arg1, %arg0, %dma_start3A_139, %dma_start3A_140] : memref<16x2x32768x64xf32, #tpu.memory_space<hbm>> -> memref<1x1x128x64xf32, #tpu.memory_space<hbm>>
    %dma_start3A_142 = tpu.memref_squeeze %dma_start3A_141 : memref<1x1x128x64xf32, #tpu.memory_space<hbm>> -> memref<128x64xf32, #tpu.memory_space<hbm>>
    %dma_start3A_143 = arith.constant 32384 : i32
    %dma_start3A_144 = arith.constant 0 : i32
    %dma_start3A_145 = tpu.memref_slice %arg4[%arg1, %arg0, %dma_start3A_143, %dma_start3A_144] : memref<16x2x32768x64xf32, #tpu.memory_space<hbm>> -> memref<1x1x128x64xf32, #tpu.memory_space<hbm>>
    %dma_start3A_146 = tpu.memref_squeeze %dma_start3A_145 : memref<1x1x128x64xf32, #tpu.memory_space<hbm>> -> memref<128x64xf32, #tpu.memory_space<hbm>>
    %dma_start3A_147 = arith.constant 0 : i32
    %dma_start3A_148 = arith.constant 0 : i32
    %dma_start3A_149 = tpu.memref_slice %arg7[%dma_start3A_134, %dma_start3A_147, %dma_start3A_148] : memref<6x128x64xf32, #tpu.memory_space<vmem>> -> memref<1x128x64xf32, #tpu.memory_space<vmem>>
    %dma_start3A_150 = tpu.memref_squeeze %dma_start3A_149 : memref<1x128x64xf32, #tpu.memory_space<vmem>> -> memref<128x64xf32, #tpu.memory_space<vmem>>
    tpu.enqueue_dma source(%dma_start3A_150 : memref<128x64xf32, #tpu.memory_space<vmem>>) target(%dma_start3A_146 : memref<128x64xf32, #tpu.memory_space<hbm>>) target_semaphore(%arg15 : memref<!tpu.dma_semaphore, #tpu.memory_space<semaphore_mem>>)
    %dma_wait3A_151 = arith.constant 1 : i32
    %dma_wait3A_152 = arith.constant 0 : i32
    %dma_wait3A_153 = arith.constant 0 : i32
    %dma_wait3A_154 = tpu.memref_slice %arg7[%dma_wait3A_151, %dma_wait3A_152, %dma_wait3A_153] : memref<6x128x64xf32, #tpu.memory_space<vmem>> -> memref<1x128x64xf32, #tpu.memory_space<vmem>>
    %dma_wait3A_155 = tpu.memref_squeeze %dma_wait3A_154 : memref<1x128x64xf32, #tpu.memory_space<vmem>> -> memref<128x64xf32, #tpu.memory_space<vmem>>
    %dma_wait3A_156 = arith.constant 32384 : i32
    %dma_wait3A_157 = arith.constant 0 : i32
    %dma_wait3A_158 = tpu.memref_slice %arg4[%arg1, %arg0, %dma_wait3A_156, %dma_wait3A_157] : memref<16x2x32768x64xf32, #tpu.memory_space<hbm>> -> memref<1x1x128x64xf32, #tpu.memory_space<hbm>>
    %dma_wait3A_159 = tpu.memref_squeeze %dma_wait3A_158 : memref<1x1x128x64xf32, #tpu.memory_space<hbm>> -> memref<128x64xf32, #tpu.memory_space<hbm>>
    %dma_wait3A_160 = arith.constant 32384 : i32
    %dma_wait3A_161 = arith.constant 0 : i32
    %dma_wait3A_162 = tpu.memref_slice %arg4[%arg1, %arg0, %dma_wait3A_160, %dma_wait3A_161] : memref<16x2x32768x64xf32, #tpu.memory_space<hbm>> -> memref<1x1x128x64xf32, #tpu.memory_space<hbm>>
    %dma_wait3A_163 = tpu.memref_squeeze %dma_wait3A_162 : memref<1x1x128x64xf32, #tpu.memory_space<hbm>> -> memref<128x64xf32, #tpu.memory_space<hbm>>
    %dma_wait3A_164 = arith.constant 0 : i32
    %dma_wait3A_165 = arith.constant 0 : i32
    %dma_wait3A_166 = tpu.memref_slice %arg7[%dma_wait3A_151, %dma_wait3A_164, %dma_wait3A_165] : memref<6x128x64xf32, #tpu.memory_space<vmem>> -> memref<1x128x64xf32, #tpu.memory_space<vmem>>
    %dma_wait3A_167 = tpu.memref_squeeze %dma_wait3A_166 : memref<1x128x64xf32, #tpu.memory_space<vmem>> -> memref<128x64xf32, #tpu.memory_space<vmem>>
    tpu.wait_dma2 semaphore(%arg15 : memref<!tpu.dma_semaphore, #tpu.memory_space<semaphore_mem>>) src(%dma_wait3A_167 : memref<128x64xf32, #tpu.memory_space<vmem>>) dst(%dma_wait3A_163 : memref<128x64xf32, #tpu.memory_space<hbm>>)
    %dma_wait3A_168 = arith.constant 2 : i32
    %dma_wait3A_169 = arith.constant 0 : i32
    %dma_wait3A_170 = arith.constant 0 : i32
    %dma_wait3A_171 = tpu.memref_slice %arg7[%dma_wait3A_168, %dma_wait3A_169, %dma_wait3A_170] : memref<6x128x64xf32, #tpu.memory_space<vmem>> -> memref<1x128x64xf32, #tpu.memory_space<vmem>>
    %dma_wait3A_172 = tpu.memref_squeeze %dma_wait3A_171 : memref<1x128x64xf32, #tpu.memory_space<vmem>> -> memref<128x64xf32, #tpu.memory_space<vmem>>
    %dma_wait3A_173 = arith.constant 32512 : i32
    %dma_wait3A_174 = tpu.memref_slice %arg6[%dma_wait3A_173] : memref<32768xi32, #tpu.memory_space<vmem>> -> memref<128xi32, #tpu.memory_space<vmem>>
    %dma_wait3A_175 = arith.constant 0 : i32
    %dma_wait3A_176 = arith.constant 0 : i32
    %dma_wait3A_177 = tpu.memref_slice %arg3[%dma_wait3A_175, %dma_wait3A_176] : memref<32768x64xf32, #tpu.memory_space<hbm>> -> memref<32768x64xf32, #tpu.memory_space<hbm>>
    tpu.wait_indirect_dma semaphore(%arg10 : memref<!tpu.dma_semaphore, #tpu.memory_space<semaphore_mem>>) src(%dma_wait3A_177 : memref<32768x64xf32, #tpu.memory_space<hbm>>) dst(%dma_wait3A_172 : memref<128x64xf32, #tpu.memory_space<vmem>>)
    %dma_start3A_178 = arith.constant 2 : i32
    %dma_start3A_179 = arith.constant 0 : i32
    %dma_start3A_180 = arith.constant 0 : i32
    %dma_start3A_181 = tpu.memref_slice %arg7[%dma_start3A_178, %dma_start3A_179, %dma_start3A_180] : memref<6x128x64xf32, #tpu.memory_space<vmem>> -> memref<1x128x64xf32, #tpu.memory_space<vmem>>
    %dma_start3A_182 = tpu.memref_squeeze %dma_start3A_181 : memref<1x128x64xf32, #tpu.memory_space<vmem>> -> memref<128x64xf32, #tpu.memory_space<vmem>>
    %dma_start3A_183 = arith.constant 32512 : i32
    %dma_start3A_184 = arith.constant 0 : i32
    %dma_start3A_185 = tpu.memref_slice %arg4[%arg1, %arg0, %dma_start3A_183, %dma_start3A_184] : memref<16x2x32768x64xf32, #tpu.memory_space<hbm>> -> memref<1x1x128x64xf32, #tpu.memory_space<hbm>>
    %dma_start3A_186 = tpu.memref_squeeze %dma_start3A_185 : memref<1x1x128x64xf32, #tpu.memory_space<hbm>> -> memref<128x64xf32, #tpu.memory_space<hbm>>
    %dma_start3A_187 = arith.constant 32512 : i32
    %dma_start3A_188 = arith.constant 0 : i32
    %dma_start3A_189 = tpu.memref_slice %arg4[%arg1, %arg0, %dma_start3A_187, %dma_start3A_188] : memref<16x2x32768x64xf32, #tpu.memory_space<hbm>> -> memref<1x1x128x64xf32, #tpu.memory_space<hbm>>
    %dma_start3A_190 = tpu.memref_squeeze %dma_start3A_189 : memref<1x1x128x64xf32, #tpu.memory_space<hbm>> -> memref<128x64xf32, #tpu.memory_space<hbm>>
    %dma_start3A_191 = arith.constant 0 : i32
    %dma_start3A_192 = arith.constant 0 : i32
    %dma_start3A_193 = tpu.memref_slice %arg7[%dma_start3A_178, %dma_start3A_191, %dma_start3A_192] : memref<6x128x64xf32, #tpu.memory_space<vmem>> -> memref<1x128x64xf32, #tpu.memory_space<vmem>>
    %dma_start3A_194 = tpu.memref_squeeze %dma_start3A_193 : memref<1x128x64xf32, #tpu.memory_space<vmem>> -> memref<128x64xf32, #tpu.memory_space<vmem>>
    tpu.enqueue_dma source(%dma_start3A_194 : memref<128x64xf32, #tpu.memory_space<vmem>>) target(%dma_start3A_190 : memref<128x64xf32, #tpu.memory_space<hbm>>) target_semaphore(%arg16 : memref<!tpu.dma_semaphore, #tpu.memory_space<semaphore_mem>>)
    %dma_wait3A_195 = arith.constant 2 : i32
    %dma_wait3A_196 = arith.constant 0 : i32
    %dma_wait3A_197 = arith.constant 0 : i32
    %dma_wait3A_198 = tpu.memref_slice %arg7[%dma_wait3A_195, %dma_wait3A_196, %dma_wait3A_197] : memref<6x128x64xf32, #tpu.memory_space<vmem>> -> memref<1x128x64xf32, #tpu.memory_space<vmem>>
    %dma_wait3A_199 = tpu.memref_squeeze %dma_wait3A_198 : memref<1x128x64xf32, #tpu.memory_space<vmem>> -> memref<128x64xf32, #tpu.memory_space<vmem>>
    %dma_wait3A_200 = arith.constant 32512 : i32
    %dma_wait3A_201 = arith.constant 0 : i32
    %dma_wait3A_202 = tpu.memref_slice %arg4[%arg1, %arg0, %dma_wait3A_200, %dma_wait3A_201] : memref<16x2x32768x64xf32, #tpu.memory_space<hbm>> -> memref<1x1x128x64xf32, #tpu.memory_space<hbm>>
    %dma_wait3A_203 = tpu.memref_squeeze %dma_wait3A_202 : memref<1x1x128x64xf32, #tpu.memory_space<hbm>> -> memref<128x64xf32, #tpu.memory_space<hbm>>
    %dma_wait3A_204 = arith.constant 32512 : i32
    %dma_wait3A_205 = arith.constant 0 : i32
    %dma_wait3A_206 = tpu.memref_slice %arg4[%arg1, %arg0, %dma_wait3A_204, %dma_wait3A_205] : memref<16x2x32768x64xf32, #tpu.memory_space<hbm>> -> memref<1x1x128x64xf32, #tpu.memory_space<hbm>>
    %dma_wait3A_207 = tpu.memref_squeeze %dma_wait3A_206 : memref<1x1x128x64xf32, #tpu.memory_space<hbm>> -> memref<128x64xf32, #tpu.memory_space<hbm>>
    %dma_wait3A_208 = arith.constant 0 : i32
    %dma_wait3A_209 = arith.constant 0 : i32
    %dma_wait3A_210 = tpu.memref_slice %arg7[%dma_wait3A_195, %dma_wait3A_208, %dma_wait3A_209] : memref<6x128x64xf32, #tpu.memory_space<vmem>> -> memref<1x128x64xf32, #tpu.memory_space<vmem>>
    %dma_wait3A_211 = tpu.memref_squeeze %dma_wait3A_210 : memref<1x128x64xf32, #tpu.memory_space<vmem>> -> memref<128x64xf32, #tpu.memory_space<vmem>>
    tpu.wait_dma2 semaphore(%arg16 : memref<!tpu.dma_semaphore, #tpu.memory_space<semaphore_mem>>) src(%dma_wait3A_211 : memref<128x64xf32, #tpu.memory_space<vmem>>) dst(%dma_wait3A_207 : memref<128x64xf32, #tpu.memory_space<hbm>>)
    %dma_wait3A_212 = arith.constant 3 : i32
    %dma_wait3A_213 = arith.constant 0 : i32
    %dma_wait3A_214 = arith.constant 0 : i32
    %dma_wait3A_215 = tpu.memref_slice %arg7[%dma_wait3A_212, %dma_wait3A_213, %dma_wait3A_214] : memref<6x128x64xf32, #tpu.memory_space<vmem>> -> memref<1x128x64xf32, #tpu.memory_space<vmem>>
    %dma_wait3A_216 = tpu.memref_squeeze %dma_wait3A_215 : memref<1x128x64xf32, #tpu.memory_space<vmem>> -> memref<128x64xf32, #tpu.memory_space<vmem>>
    %dma_wait3A_217 = arith.constant 32640 : i32
    %dma_wait3A_218 = tpu.memref_slice %arg6[%dma_wait3A_217] : memref<32768xi32, #tpu.memory_space<vmem>> -> memref<128xi32, #tpu.memory_space<vmem>>
    %dma_wait3A_219 = arith.constant 0 : i32
    %dma_wait3A_220 = arith.constant 0 : i32
    %dma_wait3A_221 = tpu.memref_slice %arg3[%dma_wait3A_219, %dma_wait3A_220] : memref<32768x64xf32, #tpu.memory_space<hbm>> -> memref<32768x64xf32, #tpu.memory_space<hbm>>
    tpu.wait_indirect_dma semaphore(%arg11 : memref<!tpu.dma_semaphore, #tpu.memory_space<semaphore_mem>>) src(%dma_wait3A_221 : memref<32768x64xf32, #tpu.memory_space<hbm>>) dst(%dma_wait3A_216 : memref<128x64xf32, #tpu.memory_space<vmem>>)
    %dma_start3A_222 = arith.constant 3 : i32
    %dma_start3A_223 = arith.constant 0 : i32
    %dma_start3A_224 = arith.constant 0 : i32
    %dma_start3A_225 = tpu.memref_slice %arg7[%dma_start3A_222, %dma_start3A_223, %dma_start3A_224] : memref<6x128x64xf32, #tpu.memory_space<vmem>> -> memref<1x128x64xf32, #tpu.memory_space<vmem>>
    %dma_start3A_226 = tpu.memref_squeeze %dma_start3A_225 : memref<1x128x64xf32, #tpu.memory_space<vmem>> -> memref<128x64xf32, #tpu.memory_space<vmem>>
    %dma_start3A_227 = arith.constant 32640 : i32
    %dma_start3A_228 = arith.constant 0 : i32
    %dma_start3A_229 = tpu.memref_slice %arg4[%arg1, %arg0, %dma_start3A_227, %dma_start3A_228] : memref<16x2x32768x64xf32, #tpu.memory_space<hbm>> -> memref<1x1x128x64xf32, #tpu.memory_space<hbm>>
    %dma_start3A_230 = tpu.memref_squeeze %dma_start3A_229 : memref<1x1x128x64xf32, #tpu.memory_space<hbm>> -> memref<128x64xf32, #tpu.memory_space<hbm>>
    %dma_start3A_231 = arith.constant 32640 : i32
    %dma_start3A_232 = arith.constant 0 : i32
    %dma_start3A_233 = tpu.memref_slice %arg4[%arg1, %arg0, %dma_start3A_231, %dma_start3A_232] : memref<16x2x32768x64xf32, #tpu.memory_space<hbm>> -> memref<1x1x128x64xf32, #tpu.memory_space<hbm>>
    %dma_start3A_234 = tpu.memref_squeeze %dma_start3A_233 : memref<1x1x128x64xf32, #tpu.memory_space<hbm>> -> memref<128x64xf32, #tpu.memory_space<hbm>>
    %dma_start3A_235 = arith.constant 0 : i32
    %dma_start3A_236 = arith.constant 0 : i32
    %dma_start3A_237 = tpu.memref_slice %arg7[%dma_start3A_222, %dma_start3A_235, %dma_start3A_236] : memref<6x128x64xf32, #tpu.memory_space<vmem>> -> memref<1x128x64xf32, #tpu.memory_space<vmem>>
    %dma_start3A_238 = tpu.memref_squeeze %dma_start3A_237 : memref<1x128x64xf32, #tpu.memory_space<vmem>> -> memref<128x64xf32, #tpu.memory_space<vmem>>
    tpu.enqueue_dma source(%dma_start3A_238 : memref<128x64xf32, #tpu.memory_space<vmem>>) target(%dma_start3A_234 : memref<128x64xf32, #tpu.memory_space<hbm>>) target_semaphore(%arg17 : memref<!tpu.dma_semaphore, #tpu.memory_space<semaphore_mem>>)
    %dma_wait3A_239 = arith.constant 3 : i32
    %dma_wait3A_240 = arith.constant 0 : i32
    %dma_wait3A_241 = arith.constant 0 : i32
    %dma_wait3A_242 = tpu.memref_slice %arg7[%dma_wait3A_239, %dma_wait3A_240, %dma_wait3A_241] : memref<6x128x64xf32, #tpu.memory_space<vmem>> -> memref<1x128x64xf32, #tpu.memory_space<vmem>>
    %dma_wait3A_243 = tpu.memref_squeeze %dma_wait3A_242 : memref<1x128x64xf32, #tpu.memory_space<vmem>> -> memref<128x64xf32, #tpu.memory_space<vmem>>
    %dma_wait3A_244 = arith.constant 32640 : i32
    %dma_wait3A_245 = arith.constant 0 : i32
    %dma_wait3A_246 = tpu.memref_slice %arg4[%arg1, %arg0, %dma_wait3A_244, %dma_wait3A_245] : memref<16x2x32768x64xf32, #tpu.memory_space<hbm>> -> memref<1x1x128x64xf32, #tpu.memory_space<hbm>>
    %dma_wait3A_247 = tpu.memref_squeeze %dma_wait3A_246 : memref<1x1x128x64xf32, #tpu.memory_space<hbm>> -> memref<128x64xf32, #tpu.memory_space<hbm>>
    %dma_wait3A_248 = arith.constant 32640 : i32
    %dma_wait3A_249 = arith.constant 0 : i32
    %dma_wait3A_250 = tpu.memref_slice %arg4[%arg1, %arg0, %dma_wait3A_248, %dma_wait3A_249] : memref<16x2x32768x64xf32, #tpu.memory_space<hbm>> -> memref<1x1x128x64xf32, #tpu.memory_space<hbm>>
    %dma_wait3A_251 = tpu.memref_squeeze %dma_wait3A_250 : memref<1x1x128x64xf32, #tpu.memory_space<hbm>> -> memref<128x64xf32, #tpu.memory_space<hbm>>
    %dma_wait3A_252 = arith.constant 0 : i32
    %dma_wait3A_253 = arith.constant 0 : i32
    %dma_wait3A_254 = tpu.memref_slice %arg7[%dma_wait3A_239, %dma_wait3A_252, %dma_wait3A_253] : memref<6x128x64xf32, #tpu.memory_space<vmem>> -> memref<1x128x64xf32, #tpu.memory_space<vmem>>
    %dma_wait3A_255 = tpu.memref_squeeze %dma_wait3A_254 : memref<1x128x64xf32, #tpu.memory_space<vmem>> -> memref<128x64xf32, #tpu.memory_space<vmem>>
    tpu.wait_dma2 semaphore(%arg17 : memref<!tpu.dma_semaphore, #tpu.memory_space<semaphore_mem>>) src(%dma_wait3A_255 : memref<128x64xf32, #tpu.memory_space<vmem>>) dst(%dma_wait3A_251 : memref<128x64xf32, #tpu.memory_space<hbm>>)
    return
  }
}

</mosaic_0001>

<sc_bundles>
// kernel: kernel.3.cloned.1.call-start
scs
__scs_entry_jumppad:
0x0: {  	(pc) =	sbr.rel $0x88, $3  }
0x1: {  	(tag) =	ssettag $0x0;
	lr =	simm.s32 $0x1  }
0x2: {  	[smem:$0x3F9F] =	sst lr;
	_ =	strace $0xD0000000  }
0x3: {  	_ = 	snop  }
0x4: {  	_ = 	snop  }
0x5: {  	_ = 	snop  }
0x6: {  	_ = 	snop  }
0x7: {  	_ = 	snop  }
__scs_overlays_trampoline_lowered:
0x8: {  	[smem:$0x3FAE] =	sst s0  }
0x9: {  	[smem:$0x3FAF] =	sst s1  }
0xa: {  	[smem:$0x3FB0] =	sst s2  }
0xb: {  	[smem:$0x3FB1] =	sst s3  }
0xc: {  	[smem:$0x3FB2] =	sst s4  }
0xd: {  	[smem:$0x3FB3] =	sst s5  }
0xe: {  	[smem:$0x3FB4] =	sst s6  }
0xf: {  	[smem:$0x3FB5] =	sst s7  }
0x10: {  	[smem:$0x3FB6] =	sst s8  }
0x11: {  	[smem:$0x3FB7] =	sst s9;
	s0 =	simm.s32 @!p0 $0x0  }
0x12: {  	s1 =	sld [smem:$0x3F9D];
	s0 =	simm.s32 @p0 $0x1  }
0x13: {  	[smem:$0x3FB8] =	sst s0;
	s0 =	simm.s32 @!p1 $0x0  }
0x14: {  	s2 =	sld [smem:$0x3F9C];
	s0 =	simm.s32 @p1 $0x1  }
0x15: {  	[smem:$0x3FB9] =	sst s0;
	s0 =	simm.s32 @!p2 $0x0  }
0x16: {  	s3 =	sld [smem:$0x3FDB];
	s0 =	simm.s32 @p2 $0x1  }
0x17: {  	s4 =	simm.s32 $0x1BF5;
	[smem:$0x3FBB] =	sst s0  }
0x18: {  	s0 =	sld [smem:$0x3F9E];
	_ =	swait.ge [sflag:s4], $0x0  }
0x19: {  	s7 =	sld [smem:$0x3F9F]  }
0x1a: {  	s8 =	sadd.s32 $0xFFFFE003, lr  }
0x1b: {  	s9 =	sadd.s32 $0xFFFFFEF7, lr;
	s5 =	simm.s32 $0xFFFFFFFF;
	p2 =	slt.u32 s8, $0xFFFFF086  }
0x1c: {  	p1 =	slt.u32 s9, $0xF7A;
	s5 =	simm.s32 @!p2 $0x0  }
0x1d: {  	s5 =	simm.s32 @p1 $0x1;
	p0 =	seq.s32 s7, s2  }
0x1e: {  	s7 =	smul.u32 @!p0 $0xF7A, s2;
	p2 =	seq.s32 @!p0 s5, $0x0  }
0x1f: {  	s9 =	smul.u32 $0xF7A, s1;
	s8 =	simm.s32 @!p0 $0x1BF5;
	p2 =	por !p2, p0  }
0x20: {  	[sflag:s8] =	ssyncset.s32 @!p0 $0xFFFFF086;
	s6 =	sadd.s32 @!p0 s3, s7;
	s7 =	simm.s32 @!p0 $0x108  }
0x21: {  	s3 =	sadd.s32 s3, s9;
	s6 =	sadd.s32 @!p0 $0x88, s6;
	s7 =	simm.s32 @p2 $0x1082  }
0x22: {  	[simem:s7], [sflag:s8] =	dma.local @!p0 [hbm:s6], $0xF7A  }
0x23: {  	s9 =	sor.u32 $0xD0000000, s2;
	s6 =	simm.s32 $0x108;
	_ =	swait.ge @!p0 [sflag:s8], $0x0  }
0x24: {  	s3 =	sadd.s32 $0x88, s3;
	s6 =	simm.s32 @!p1 $0x1082;
	[sflag:s4] =	ssyncset.s32 $0xFFFFF086  }
0x25: {  	[simem:s6], [sflag:s4] =	dma.local [hbm:s3], $0xF7A  }
0x26: {  	[smem:$0x3F9F] =	sst s1;
	(tag) =	ssettag s2;
	_ =	strace s9  }
0x27: {  	s1 =	sld [smem:$0x3FAF]  }
0x28: {  	s2 =	sld [smem:$0x3FB0]  }
0x29: {  	s4 =	sld [smem:$0x3FB2]  }
0x2a: {  	p0 =	seq.s32 s5, $0x0;
	s5 =	sld [smem:$0x3FB3]  }
0x2b: {  	s6 =	sld [smem:$0x3FB4]  }
0x2c: {  	s7 =	sld [smem:$0x3FB5]  }
0x2d: {  	s3 =	simm.s32 $0x108;
	s8 =	sld [smem:$0x3FB6]  }
0x2e: {  	s3 =	simm.s32 @!p0 $0x1082;
	s9 =	sld [smem:$0x3FB7]  }
0x2f: {  	lr =	sadd.s32 s0, s3;
	s0 =	sld [smem:$0x3FAE]  }
0x30: {  	s3 =	sld [smem:$0x3FB1]  }
0x31: {  	[smem:$0x3FBA] =	sst s10  }
0x32: {  	s10 =	sld [smem:$0x3FB8];
	_ =	sdelay $0x3  }
0x33: {  	p0 =	seq.s32 s10, $0x1;
	s10 =	sld [smem:$0x3FBA];
	_ =	sdelay $0x3  }
0x34: {  	[smem:$0x3FBA] =	sst s10  }
0x35: {  	s10 =	sld [smem:$0x3FB9];
	_ =	sdelay $0x3  }
0x36: {  	p1 =	seq.s32 s10, $0x1;
	s10 =	sld [smem:$0x3FBA];
	_ =	sdelay $0x3  }
0x37: {  	[smem:$0x3FBA] =	sst s10  }
0x38: {  	s10 =	sld [smem:$0x3FBB]  }
0x39: {  	_ = 	snop;
	(pc) =	sbr.ind lr, $3  }
0x3a: {  	_ = 	snop  }
0x3b: {  	_ = 	snop  }
0x3c: {  	p2 =	seq.s32 s10, $0x1;
	s10 =	sld [smem:$0x3FBA]  }
0x3d: {  	_ =	shalt  }
0x3e: {  	_ =	shalt  }
0x3f: {  	_ =	shalt  }
0x40: {  	_ =	shalt  }
0x41: {  	_ =	shalt  }
0x42: {  	_ =	shalt  }
0x43: {  	_ =	shalt  }
0x44: {  	_ =	shalt  }
0x45: {  	_ =	shalt  }
0x46: {  	_ =	shalt  }
0x47: {  	_ =	shalt  }
0x48: {  	_ =	shalt  }
0x49: {  	_ =	shalt  }
0x4a: {  	_ =	shalt  }
0x4b: {  	_ =	shalt  }
0x4c: {  	_ =	shalt  }
0x4d: {  	_ =	shalt  }
0x4e: {  	_ =	shalt  }
0x4f: {  	_ =	shalt  }
0x50: {  	_ =	shalt  }
0x51: {  	_ =	shalt  }
0x52: {  	_ =	shalt  }
0x53: {  	_ =	shalt  }
0x54: {  	_ =	shalt  }
0x55: {  	_ =	shalt  }
0x56: {  	_ =	shalt  }
0x57: {  	_ =	shalt  }
0x58: {  	_ =	shalt  }
0x59: {  	_ =	shalt  }
0x5a: {  	_ =	shalt  }
0x5b: {  	_ =	shalt  }
0x5c: {  	_ =	shalt  }
0x5d: {  	_ =	shalt  }
0x5e: {  	_ =	shalt  }
0x5f: {  	_ =	shalt  }
0x60: {  	_ =	shalt  }
0x61: {  	_ =	shalt  }
0x62: {  	_ =	shalt  }
0x63: {  	_ =	shalt  }
0x64: {  	_ =	shalt  }
0x65: {  	_ =	shalt  }
0x66: {  	_ =	shalt  }
0x67: {  	_ =	shalt  }
0x68: {  	_ =	shalt  }
0x69: {  	_ =	shalt  }
0x6a: {  	_ =	shalt  }
0x6b: {  	_ =	shalt  }
0x6c: {  	_ =	shalt  }
0x6d: {  	_ =	shalt  }
0x6e: {  	_ =	shalt  }
0x6f: {  	_ =	shalt  }
0x70: {  	_ =	shalt  }
0x71: {  	_ =	shalt  }
0x72: {  	_ =	shalt  }
0x73: {  	_ =	shalt  }
0x74: {  	_ =	shalt  }
0x75: {  	_ =	shalt  }
0x76: {  	_ =	shalt  }
0x77: {  	_ =	shalt  }
0x78: {  	_ =	shalt  }
0x79: {  	_ =	shalt  }
0x7a: {  	_ =	shalt  }
0x7b: {  	_ =	shalt  }
0x7c: {  	_ =	shalt  }
0x7d: {  	_ =	shalt  }
0x7e: {  	_ =	shalt  }
0x7f: {  	_ =	shalt  }
0x80: {  	_ =	shalt  }
0x81: {  	_ =	shalt  }
0x82: {  	_ =	shalt  }
0x83: {  	_ =	shalt  }
0x84: {  	_ =	shalt  }
0x85: {  	_ =	shalt  }
0x86: {  	_ =	shalt  }
0x87: {  	_ =	shalt  }
.Lfunc_end0:
.L_simem_size_0:
called_computation_lowered:
.L_overlay_start_0:
0x88: {  	s2 =	sld [smem:$0x3FD9]  }
0x89: {  	s3 =	sld [smem:$0x3FFE];
	_ =	sdelay $0x1  }
0x8a: {  	s1 =	srdreg.scid  }
0x8b: {  	s0 =	sand.u32 $0x1, s1  }
0x8c: {  	s17 =	sshll.u32 s0, $0xA;
	s2 =	sadd.s32 s3, s2  }
0x8d: {  	s2 =	sadd.s32 s2, s17  }
0x8e: {  	[smem:$0x3FC6] =	sst s2  }
0x8f: {  	_ = 	snop  }
0x90: {  	s2 =	sld [smem:$0x3FD0];
	(tm) =	ssettm $0x1  }
0x91: {  	s18 =	sld [smem:$0x3FFB];
	_ =	sdelay $0x3  }
0x92: {  	_ =	strace s18  }
0x93: {  	s3 =	sld [smem:$0x3FFC];
	_ =	sdelay $0x3  }
0x94: {  	_ =	strace s3  }
0x95: {  	s3 =	sld [smem:$0x3FFD];
	_ =	sdelay $0x3  }
0x96: {  	_ =	strace s3  }
0x97: {  	_ =	strace $0x8FFFFFFF  }
0x98: {  	s19 =	sld [smem:$0x3FDB];
	_ =	sdelay $0x1  }
0x99: {  	s4 =	simm.s32 $_scs_section_size  }
0x9a: {  	s5 =	simm.s32 $_size__tile_overlayer_lowered;
	s6 =	simm.s32 $_tile_overlayer_lowered  }
0x9b: {  	s22 =	simm.s32 $0x1BFF;
	s21 =	sshll.u32 s6, $0x1;
	s3 =	sadd.s32 s4, s19  }
0x9c: {  	s7 =	simm.s32 $0x0;
	s20 =	sshll.u32 s5, $0x1;
	s5 =	sadd.s32 s21, s3  }
0x9d: {  	[timem:s7], [sflag:s22] =	dma.local [hbm:s5], s20  }
0x9e: {  	_ =	swait.ge [sflag:s22], s20  }
0x9f: {  	s4 =	ssub.s32 $0x0, s20;
	[sflag:s22] =	ssyncset.done $0x0  }
0xa0: {  	[sflag:s22] =	ssyncadd.s32 s4;
	_ =	sdelay $0x1  }
0xa1: {  	s23 =	simm.s32 $0x1B8B  }
0xa2: {  	_ =	swait.ge [sflag:s23], $0x1  }
0xa3: {  	[sflag:s23] =	ssyncset.done $0x0  }
0xa4: {  	s25 =	simm.s32 $0x1B8E;
	s24 =	sld [smem:$0x3FFE];
	[sflag:s23] =	ssyncadd.s32 $0xFFFFFFFF  }
0xa5: {  	s26 =	simm.s32 $execute0_lowered;
	[smem:$0x3FD2] =	sst s25  }
0xa6: {  	s5 =	sshll.u32 s26, $0x1;
	_ =	strace $0x80000046;
	[dreg:$0x1] =	wrdreg $0xFFFFFFFF  }
0xa7: {  	s28 =	simm.s32 $_size_execute0_lowered;
	s3 =	sadd.s32 s3, s5;
	[dreg:$0x0] =	wrdreg $0x0  }
0xa8: {  	s5 =	sshll.u32 s28, $0x1;
	[dreg:$0x2] =	wrdreg s3  }
0xa9: {  	[dreg:$0x3] =	wrdreg s5  }
0xaa: {  	[dreg:$0x4] =	wrdreg $0xC0  }
0xab: {  	_ =	task [dreg:s7], $0x5FFFF  }
0xac: {  	[dreg:$0x1] =	wrdreg $0xFFFFFFFF  }
0xad: {  	[dreg:$0x0] =	wrdreg $0x60  }
0xae: {  	[dreg:$0x2] =	wrdreg s24  }
0xaf: {  	[dreg:$0x3] =	wrdreg s2  }
0xb0: {  	[dreg:$0x4] =	wrdreg $0x9  }
0xb1: {  	_ =	task.clear_ibuf [dreg:s7], $0x5FFFF;
	_ =	strace $0x90000046  }
0xb2: {  	s29 =	simm.s32 $0x9;
	_ =	strace $0x80000048  }
0xb3: {  	_ =	swait.ge [sflag:s29], $0x1  }
0xb4: {  	[sflag:s29] =	ssyncadd.s32 $0xFFFFFFFF  }
0xb5: {  	_ =	strace $0x90000048  }
0xb6: {  	_ =	sfence  }
0xb7: {  	s30 =	sld [smem:$0x0];
	_ =	sdelay $0x2  }
0xb8: {  	s31 =	sshll.u32 s1, $0xD;
	s1 =	sshrl.u32 s1, $0x2  }
0xb9: {  	s3 =	sand.u32 $0x4000, s31;
	s1 =	sadd.s32 s1, s30  }
0xba: {  	s0 =	sor.u32 s3, s0;
	s1 =	sshll.u32 s1, $0x11  }
0xbb: {  	s0 =	sor.u32 s1, s0  }
0xbc: {  	s0 =	sadd.s32 $0x8F2B, s0  }
0xbd: {  	[sflag:s0] =	ssyncadd.remote.s32 $0x1  }
0xbe: {  	_ =	sfence.sel $0xFFFF  }
0xbf: {  	[dreg:$0x0] =	wrdreg $0xFFFFFFFF;
	(pc) =	sbr.abs _section_cstart, $3  }
0xc0: {  	[dreg:$0x1] =	wrdreg $0xFFFFFFFF  }
0xc1: {  	_ =	task.clear_ibuf [dreg:s7], $0x2FFFF;
	_ =	strace $0x9FFFFFFF  }
0xc2: {  	(tm) =	ssettm $0x7FFFFFFF  }
0xc3: {  	_ =	shalt  }
tec
execute0_lowered:
.L_overlay_start_1:
0x0: {  	(tag) =	ssettag $0x1  }
0x1: {  	s0 =	rddreg [dreg:$0x0]  }
0x2: {  	s1 =	rddreg [dreg:$0x1]  }
0x3: {  	s3 =	srdreg.scid;
	s2 =	simm.s32 $0x0;
	s9 =	stileid.u32  }
0x4: {  	s28 =	simm.s32 $0x2;
	s29 =	simm.s32 $0x8;
	s30 =	simm.s32 $0x3  }
0x5: {  	s31 =	simm.s32 $0x9;
	s10 =	simm.s32 $0x5;
	s11 =	simm.s32 $0xB  }
0x6: {  	s3 =	sand.u32 $0x1, s3;
	[smem:$0x7FF] =	sst s2;
	s12 =	sshll.u32 s9, $0xD  }
0x7: {  	s7 =	sshll.u32 s9, $0x13;
	s9 =	sshll.u32 s9, $0x16;
	s4 =	sshll.u32 s3, $0x7  }
0x8: {  	s5 =	ssub.s32 $0x2, s3;
	_ =	strace $0x80000047;
	s8 =	sshll.u32 s3, $0x12  }
0x9: {  	s3 =	sshll.u32 s3, $0x15;
	s4 =	sadd.s32 s4, s0;
	s6 =	sshrl.u32 s5, $0x1  }
0xa: {  	s0 =	sadd.s32 $0x20600, s0;
	s7 =	sor.u32 s8, s7;
	s3 =	sor.u32 s3, s9  }
0xb: {  	s5 =	ssub.s32 s5, s6;
	s4 =	sadd.s32 s12, s4;
	s13 =	sadd.s32 s7, s0  }
0xc: {  	s15 =	sor.u32 $0x8000, s3;
	s16 =	sor.u32 $0x6000, s3;
	s17 =	sor.u32 $0x4000, s3  }
0xd: {  	s21 =	sor.u32 $0x2000, s3;
	s24 =	sshrl.u32 s3, $0x3;
	s3 =	sor.u32 $0xA000, s3  }
0xe: {  	s12 =	simm.s32 $0xD;
	s4 =	sadd.s32 $0x600, s4;
	s14 =	sadd.s32 $0x3F000, s13  }
0xf: {  	v0 =	vlaneseq.u32;
	s7 =	sadd.s32 $0x3F400, s13;
	s19 =	sshrl.u32 s17, $0x3;
	s22 =	sadd.s32 $0x3F800, s13  }
0x10: {  	v0 =	vmul.u32 $0x20, v0;
	s23 =	sshrl.u32 s21, $0x3;
	s25 =	sadd.s32 s24, s0;
	[dreg:$0x9] =	wrdreg s4  }
0x11: {  	s3 =	sshrl.u32 s3, $0x3;
	s6 =	sadd.s32 $0x3FC00, s13;
	[dreg:$0xa] =	wrdreg s14  }
0x12: {  	v1 =	vor.u32 $0x1, v0;
	s26 =	smax.u32 s5, $0x1;
	s13 =	simm.s32 $0x8000;
	[dreg:$0xb] =	wrdreg s7  }
0x13: {  	v2 =	vor.u32 $0x2, v0;
	v3 =	vor.u32 $0x3, v0;
	v4 =	vor.u32 $0x4, v0;
	s17 =	simm.s32 $0x12000;
	s21 =	simm.s32 $0x16000;
	[dreg:$0xc] =	wrdreg s22  }
0x14: {  	v5 =	vor.u32 $0x5, v0;
	v6 =	vor.u32 $0x6, v0;
	v7 =	vor.u32 $0x7, v0;
	s24 =	simm.s32 $0x1A000;
	s4 =	sshrl.u32 s15, $0x3;
	[dreg:$0xd] =	wrdreg s6  }
0x15: {  	v8 =	vor.u32 $0x8, v0;
	v9 =	vor.u32 $0x9, v0;
	v10 =	vor.u32 $0xA, v0;
	s7 =	sshrl.u32 s16, $0x3;
	s20 =	sadd.s32 s19, s0;
	[dreg:$0x7] =	wrdreg s25  }
0x16: {  	v11 =	vor.u32 $0xB, v0;
	v12 =	vor.u32 $0xC, v0;
	v13 =	vor.u32 $0xD, v0;
	[dreg:$0xe] =	wrdreg s26;
	s14 =	simm.s32 $0x80;
	s15 =	simm.s32 $0x10000  }
0x17: {  	v14 =	vor.u32 $0xE, v0;
	v15 =	vor.u32 $0xF, v0;
	v16 =	vor.u32 $0x10, v0;
	s19 =	simm.s32 $0x14000;
	s25 =	simm.s32 $0x1;
	s26 =	simm.s32 $0x7  }
0x18: {  	v17 =	vor.u32 $0x11, v0;
	v18 =	vor.u32 $0x12, v0;
	v19 =	vor.u32 $0x13, v0;
	s16 =	simm.s32 $0x6;
	s4 =	sadd.s32 s4, s0;
	[dreg:$0x5] =	wrdreg s20  }
0x19: {  	v20 =	vor.u32 $0x14, v0;
	v21 =	vor.u32 $0x15, v0;
	v22 =	vor.u32 $0x16, v0;
	s18 =	sadd.s32 s7, s0;
	s20 =	simm.s32 $0x0;
	[dreg:$0x3] =	wrdreg s4  }
0x1a: {  	v23 =	vor.u32 $0x17, v0;
	v24 =	vor.u32 $0x18, v0;
	v25 =	vor.u32 $0x19, v0;
	[dreg:$0x4] =	wrdreg s18;
	s4 =	sadd.s32 s23, s0;
	s0 =	sadd.s32 s3, s0  }
0x1b: {  	v26 =	vor.u32 $0x1A, v0;
	v27 =	vor.u32 $0x1B, v0;
	v28 =	vor.u32 $0x1C, v0;
	s23 =	simm.s32 $0x18000;
	s3 =	simm.s32 $0xA;
	[dreg:$0x6] =	wrdreg s4  }
0x1c: {  	v29 =	vor.u32 $0x1D, v0;
	v30 =	vor.u32 $0x1E, v0;
	v31 =	vor.u32 $0x1F, v0;
	s18 =	simm.s32 $0xC;
	[dreg:$0x8] =	wrdreg s0;
	s0 =	simm.s32 $0x4  }
.LBB2_1:
0x1d: {  	s4 =	rddreg [dreg:$0x9];
	s5 =	simm.s32 $0x400;
	s6 =	simm.s32 $0x800  }
0x1e: {  	[tilespmem:s2], [sflag:$0xD] =	stream.strided.gather [hbm4b:s4+s5], $0x8000, s6, s5, $0x38;
	[tilespmem:$0x1C000] =	vst v63  }
0x1f: {  	_ =	swait.ge [sflag:s12], $0x8000  }
0x20: {  	[sflag:s12] =	ssyncset.done $0x0  }
0x21: {  	s22 =	simm.s32 $0x0;
	[sflag:s12] =	ssyncadd.s32 $0xFFFF8000  }
0x22: {  	v32 =	vor.u32 s2, v0;
	v33 =	vld [tilespmem:s22+$0x0];
	_ =	sdelay $0x4  }
0x23: {  	[tilespmem:v32+s13+$0x0] =	vst.idx.msk $0xffff, v33  }
0x24: {  	v32 =	vld [tilespmem:s22+$0x400]  }
0x25: {  	v62 =	vor.u32 s2, v1;
	_ =	sdelay $0x3  }
0x26: {  	v32 =	vadd.s32 $0x400, v32  }
0x27: {  	[tilespmem:v62+s13+$0x0] =	vst.idx.msk $0xffff, v32  }
0x28: {  	v32 =	vld [tilespmem:s22+$0x800]  }
0x29: {  	v63 =	vor.u32 s2, v2;
	_ =	sdelay $0x3  }
0x2a: {  	v32 =	vadd.s32 $0x800, v32  }
0x2b: {  	[tilespmem:v63+s13+$0x0] =	vst.idx.msk $0xffff, v32  }
0x2c: {  	v32 =	vld [tilespmem:s22+$0xC00]  }
0x2d: {  	v36 =	vor.u32 s2, v3;
	_ =	sdelay $0x3  }
0x2e: {  	v32 =	vadd.s32 $0xC00, v32  }
0x2f: {  	[tilespmem:v36+s13+$0x0] =	vst.idx.msk $0xffff, v32  }
0x30: {  	v32 =	vld [tilespmem:s22+$0x1000]  }
0x31: {  	v37 =	vor.u32 s2, v4;
	_ =	sdelay $0x3  }
0x32: {  	v32 =	vadd.s32 $0x1000, v32  }
0x33: {  	[tilespmem:v37+s13+$0x0] =	vst.idx.msk $0xffff, v32  }
0x34: {  	v32 =	vld [tilespmem:s22+$0x1400]  }
0x35: {  	v38 =	vor.u32 s2, v5;
	_ =	sdelay $0x3  }
0x36: {  	v32 =	vadd.s32 $0x1400, v32  }
0x37: {  	[tilespmem:v38+s13+$0x0] =	vst.idx.msk $0xffff, v32  }
0x38: {  	v32 =	vld [tilespmem:s22+$0x1800]  }
0x39: {  	v39 =	vor.u32 s2, v6;
	_ =	sdelay $0x3  }
0x3a: {  	v32 =	vadd.s32 $0x1800, v32  }
0x3b: {  	[tilespmem:v39+s13+$0x0] =	vst.idx.msk $0xffff, v32  }
0x3c: {  	v32 =	vld [tilespmem:s22+$0x1C00]  }
0x3d: {  	v40 =	vor.u32 s2, v7;
	_ =	sdelay $0x3  }
0x3e: {  	v32 =	vadd.s32 $0x1C00, v32  }
0x3f: {  	[tilespmem:v40+s13+$0x0] =	vst.idx.msk $0xffff, v32  }
0x40: {  	v32 =	vld [tilespmem:s22+$0x2000]  }
0x41: {  	v41 =	vor.u32 s2, v8;
	_ =	sdelay $0x3  }
0x42: {  	v32 =	vadd.s32 $0x2000, v32  }
0x43: {  	[tilespmem:v41+s13+$0x0] =	vst.idx.msk $0xffff, v32  }
0x44: {  	v32 =	vld [tilespmem:s22+$0x2400]  }
0x45: {  	v42 =	vor.u32 s2, v9;
	_ =	sdelay $0x3  }
0x46: {  	v32 =	vadd.s32 $0x2400, v32  }
0x47: {  	[tilespmem:v42+s13+$0x0] =	vst.idx.msk $0xffff, v32  }
0x48: {  	v32 =	vld [tilespmem:s22+$0x2800]  }
0x49: {  	v43 =	vor.u32 s2, v10;
	_ =	sdelay $0x3  }
0x4a: {  	v32 =	vadd.s32 $0x2800, v32  }
0x4b: {  	[tilespmem:v43+s13+$0x0] =	vst.idx.msk $0xffff, v32  }
0x4c: {  	v32 =	vld [tilespmem:s22+$0x2C00]  }
0x4d: {  	v44 =	vor.u32 s2, v11;
	_ =	sdelay $0x3  }
0x4e: {  	v32 =	vadd.s32 $0x2C00, v32  }
0x4f: {  	[tilespmem:v44+s13+$0x0] =	vst.idx.msk $0xffff, v32  }
0x50: {  	v32 =	vld [tilespmem:s22+$0x3000]  }
0x51: {  	v45 =	vor.u32 s2, v12;
	_ =	sdelay $0x3  }
0x52: {  	v32 =	vadd.s32 $0x3000, v32  }
0x53: {  	[tilespmem:v45+s13+$0x0] =	vst.idx.msk $0xffff, v32  }
0x54: {  	v32 =	vld [tilespmem:s22+$0x3400]  }
0x55: {  	v46 =	vor.u32 s2, v13;
	_ =	sdelay $0x3  }
0x56: {  	v32 =	vadd.s32 $0x3400, v32  }
0x57: {  	[tilespmem:v46+s13+$0x0] =	vst.idx.msk $0xffff, v32  }
0x58: {  	v32 =	vld [tilespmem:s22+$0x3800]  }
0x59: {  	v47 =	vor.u32 s2, v14;
	_ =	sdelay $0x3  }
0x5a: {  	v32 =	vadd.s32 $0x3800, v32  }
0x5b: {  	[tilespmem:v47+s13+$0x0] =	vst.idx.msk $0xffff, v32  }
0x5c: {  	v32 =	vld [tilespmem:s22+$0x3C00]  }
0x5d: {  	v48 =	vor.u32 s2, v15;
	_ =	sdelay $0x3  }
0x5e: {  	v32 =	vadd.s32 $0x3C00, v32  }
0x5f: {  	[tilespmem:v48+s13+$0x0] =	vst.idx.msk $0xffff, v32  }
0x60: {  	v32 =	vld [tilespmem:s22+$0x4000]  }
0x61: {  	v49 =	vor.u32 s2, v16;
	_ =	sdelay $0x3  }
0x62: {  	v32 =	vadd.s32 $0x4000, v32  }
0x63: {  	[tilespmem:v49+s13+$0x0] =	vst.idx.msk $0xffff, v32  }
0x64: {  	v32 =	vld [tilespmem:s22+$0x4400]  }
0x65: {  	v50 =	vor.u32 s2, v17;
	_ =	sdelay $0x3  }
0x66: {  	v32 =	vadd.s32 $0x4400, v32  }
0x67: {  	[tilespmem:v50+s13+$0x0] =	vst.idx.msk $0xffff, v32  }
0x68: {  	v32 =	vld [tilespmem:s22+$0x4800]  }
0x69: {  	v51 =	vor.u32 s2, v18;
	_ =	sdelay $0x3  }
0x6a: {  	v32 =	vadd.s32 $0x4800, v32  }
0x6b: {  	[tilespmem:v51+s13+$0x0] =	vst.idx.msk $0xffff, v32  }
0x6c: {  	v32 =	vld [tilespmem:s22+$0x4C00]  }
0x6d: {  	v52 =	vor.u32 s2, v19;
	_ =	sdelay $0x3  }
0x6e: {  	v32 =	vadd.s32 $0x4C00, v32  }
0x6f: {  	[tilespmem:v52+s13+$0x0] =	vst.idx.msk $0xffff, v32  }
0x70: {  	v32 =	vld [tilespmem:s22+$0x5000]  }
0x71: {  	v53 =	vor.u32 s2, v20;
	_ =	sdelay $0x3  }
0x72: {  	v32 =	vadd.s32 $0x5000, v32  }
0x73: {  	[tilespmem:v53+s13+$0x0] =	vst.idx.msk $0xffff, v32  }
0x74: {  	v32 =	vld [tilespmem:s22+$0x5400]  }
0x75: {  	v54 =	vor.u32 s2, v21;
	_ =	sdelay $0x3  }
0x76: {  	v32 =	vadd.s32 $0x5400, v32  }
0x77: {  	[tilespmem:v54+s13+$0x0] =	vst.idx.msk $0xffff, v32  }
0x78: {  	v32 =	vld [tilespmem:s22+$0x5800]  }
0x79: {  	v55 =	vor.u32 s2, v22;
	_ =	sdelay $0x3  }
0x7a: {  	v32 =	vadd.s32 $0x5800, v32  }
0x7b: {  	[tilespmem:v55+s13+$0x0] =	vst.idx.msk $0xffff, v32  }
0x7c: {  	v32 =	vld [tilespmem:s22+$0x5C00]  }
0x7d: {  	v56 =	vor.u32 s2, v23;
	_ =	sdelay $0x3  }
0x7e: {  	v32 =	vadd.s32 $0x5C00, v32  }
0x7f: {  	[tilespmem:v56+s13+$0x0] =	vst.idx.msk $0xffff, v32  }
0x80: {  	v32 =	vld [tilespmem:s22+$0x6000]  }
0x81: {  	v57 =	vor.u32 s2, v24;
	_ =	sdelay $0x3  }
0x82: {  	v32 =	vadd.s32 $0x6000, v32  }
0x83: {  	[tilespmem:v57+s13+$0x0] =	vst.idx.msk $0xffff, v32  }
0x84: {  	v32 =	vld [tilespmem:s22+$0x6400]  }
0x85: {  	v58 =	vor.u32 s2, v25;
	_ =	sdelay $0x3  }
0x86: {  	v32 =	vadd.s32 $0x6400, v32  }
0x87: {  	[tilespmem:v58+s13+$0x0] =	vst.idx.msk $0xffff, v32  }
0x88: {  	v32 =	vld [tilespmem:s22+$0x6800]  }
0x89: {  	v59 =	vor.u32 s2, v26;
	_ =	sdelay $0x3  }
0x8a: {  	v32 =	vadd.s32 $0x6800, v32  }
0x8b: {  	[tilespmem:v59+s13+$0x0] =	vst.idx.msk $0xffff, v32  }
0x8c: {  	v32 =	vld [tilespmem:s22+$0x6C00]  }
0x8d: {  	v60 =	vor.u32 s2, v27;
	_ =	sdelay $0x3  }
0x8e: {  	v32 =	vadd.s32 $0x6C00, v32  }
0x8f: {  	[tilespmem:v60+s13+$0x0] =	vst.idx.msk $0xffff, v32  }
0x90: {  	v32 =	vld [tilespmem:s22+$0x7000]  }
0x91: {  	v61 =	vor.u32 s2, v28;
	_ =	sdelay $0x3  }
0x92: {  	v32 =	vadd.s32 $0x7000, v32  }
0x93: {  	[tilespmem:v61+s13+$0x0] =	vst.idx.msk $0xffff, v32  }
0x94: {  	v32 =	vld [tilespmem:s22+$0x7400]  }
0x95: {  	v62 =	vor.u32 s2, v29;
	_ =	sdelay $0x3  }
0x96: {  	v32 =	vadd.s32 $0x7400, v32  }
0x97: {  	[tilespmem:v62+s13+$0x0] =	vst.idx.msk $0xffff, v32  }
0x98: {  	v32 =	vld [tilespmem:s22+$0x7800]  }
0x99: {  	v63 =	vor.u32 s2, v30;
	_ =	sdelay $0x3  }
0x9a: {  	v32 =	vadd.s32 $0x7800, v32  }
0x9b: {  	[tilespmem:v63+s13+$0x0] =	vst.idx.msk $0xffff, v32  }
0x9c: {  	v33 =	vld [tilespmem:s22+$0x7C00];
	_ =	sdelay $0x1  }
0x9d: {  	v32 =	vor.u32 s2, v31;
	_ =	sdelay $0x2  }
0x9e: {  	s7 =	simm.s32 $0x80;
	s4 =	simm.s32 $0x40;
	s22 =	simm.s32 $0x0;
	v33 =	vadd.s32 $0x7C00, v33  }
.LBB2_2:
0x9f: {  	s6 =	sshra.s32 s4, $0x2  }
0xa0: {  	[tilespmem:v32+s13+$0x0] =	vst.idx.msk $0xffff, v33;
	s22 =	sadd.s32 $0x200, s22;
	s4 =	smov.u32 s7;
	s5 =	sadd.s32 $0x40, s7  }
0xa1: {  	p0 =	sne.s32 s7, $0xFC0;
	v32 =	vor.u32 s22, v0;
	v33 =	vld [tilespmem:s6+$0x0];
	_ =	sdelay $0x4  }
0xa2: {  	[tilespmem:v32+s13+$0x0] =	vst.idx.msk $0xffff, v33  }
0xa3: {  	v32 =	vld [tilespmem:s6+$0x400]  }
0xa4: {  	v33 =	vor.u32 s22, v1;
	_ =	sdelay $0x3  }
0xa5: {  	v32 =	vadd.s32 $0x400, v32  }
0xa6: {  	[tilespmem:v33+s13+$0x0] =	vst.idx.msk $0xffff, v32  }
0xa7: {  	v32 =	vld [tilespmem:s6+$0x800]  }
0xa8: {  	v33 =	vor.u32 s22, v2;
	_ =	sdelay $0x3  }
0xa9: {  	v32 =	vadd.s32 $0x800, v32  }
0xaa: {  	[tilespmem:v33+s13+$0x0] =	vst.idx.msk $0xffff, v32  }
0xab: {  	v32 =	vld [tilespmem:s6+$0xC00]  }
0xac: {  	v33 =	vor.u32 s22, v3;
	_ =	sdelay $0x3  }
0xad: {  	v32 =	vadd.s32 $0xC00, v32  }
0xae: {  	[tilespmem:v33+s13+$0x0] =	vst.idx.msk $0xffff, v32  }
0xaf: {  	v32 =	vld [tilespmem:s6+$0x1000]  }
0xb0: {  	v33 =	vor.u32 s22, v4;
	_ =	sdelay $0x3  }
0xb1: {  	v32 =	vadd.s32 $0x1000, v32  }
0xb2: {  	[tilespmem:v33+s13+$0x0] =	vst.idx.msk $0xffff, v32  }
0xb3: {  	v32 =	vld [tilespmem:s6+$0x1400]  }
0xb4: {  	v33 =	vor.u32 s22, v5;
	_ =	sdelay $0x3  }
0xb5: {  	v32 =	vadd.s32 $0x1400, v32  }
0xb6: {  	[tilespmem:v33+s13+$0x0] =	vst.idx.msk $0xffff, v32  }
0xb7: {  	v32 =	vld [tilespmem:s6+$0x1800]  }
0xb8: {  	v33 =	vor.u32 s22, v6;
	_ =	sdelay $0x3  }
0xb9: {  	v32 =	vadd.s32 $0x1800, v32  }
0xba: {  	[tilespmem:v33+s13+$0x0] =	vst.idx.msk $0xffff, v32  }
0xbb: {  	v32 =	vld [tilespmem:s6+$0x1C00]  }
0xbc: {  	v33 =	vor.u32 s22, v7;
	_ =	sdelay $0x3  }
0xbd: {  	v32 =	vadd.s32 $0x1C00, v32  }
0xbe: {  	[tilespmem:v33+s13+$0x0] =	vst.idx.msk $0xffff, v32  }
0xbf: {  	v32 =	vld [tilespmem:s6+$0x2000]  }
0xc0: {  	v33 =	vor.u32 s22, v8;
	_ =	sdelay $0x3  }
0xc1: {  	v32 =	vadd.s32 $0x2000, v32  }
0xc2: {  	[tilespmem:v33+s13+$0x0] =	vst.idx.msk $0xffff, v32  }
0xc3: {  	v32 =	vld [tilespmem:s6+$0x2400]  }
0xc4: {  	v33 =	vor.u32 s22, v9;
	_ =	sdelay $0x3  }
0xc5: {  	v32 =	vadd.s32 $0x2400, v32  }
0xc6: {  	[tilespmem:v33+s13+$0x0] =	vst.idx.msk $0xffff, v32  }
0xc7: {  	v32 =	vld [tilespmem:s6+$0x2800]  }
0xc8: {  	v33 =	vor.u32 s22, v10;
	_ =	sdelay $0x3  }
0xc9: {  	v32 =	vadd.s32 $0x2800, v32  }
0xca: {  	[tilespmem:v33+s13+$0x0] =	vst.idx.msk $0xffff, v32  }
0xcb: {  	v32 =	vld [tilespmem:s6+$0x2C00]  }
0xcc: {  	v33 =	vor.u32 s22, v11;
	_ =	sdelay $0x3  }
0xcd: {  	v32 =	vadd.s32 $0x2C00, v32  }
0xce: {  	[tilespmem:v33+s13+$0x0] =	vst.idx.msk $0xffff, v32  }
0xcf: {  	v32 =	vld [tilespmem:s6+$0x3000]  }
0xd0: {  	v33 =	vor.u32 s22, v12;
	_ =	sdelay $0x3  }
0xd1: {  	v32 =	vadd.s32 $0x3000, v32  }
0xd2: {  	[tilespmem:v33+s13+$0x0] =	vst.idx.msk $0xffff, v32  }
0xd3: {  	v32 =	vld [tilespmem:s6+$0x3400]  }
0xd4: {  	v33 =	vor.u32 s22, v13;
	_ =	sdelay $0x3  }
0xd5: {  	v32 =	vadd.s32 $0x3400, v32  }
0xd6: {  	[tilespmem:v33+s13+$0x0] =	vst.idx.msk $0xffff, v32  }
0xd7: {  	v32 =	vld [tilespmem:s6+$0x3800]  }
0xd8: {  	v33 =	vor.u32 s22, v14;
	_ =	sdelay $0x3  }
0xd9: {  	v32 =	vadd.s32 $0x3800, v32  }
0xda: {  	[tilespmem:v33+s13+$0x0] =	vst.idx.msk $0xffff, v32  }
0xdb: {  	v32 =	vld [tilespmem:s6+$0x3C00]  }
0xdc: {  	v33 =	vor.u32 s22, v15;
	_ =	sdelay $0x3  }
0xdd: {  	v32 =	vadd.s32 $0x3C00, v32  }
0xde: {  	[tilespmem:v33+s13+$0x0] =	vst.idx.msk $0xffff, v32  }
0xdf: {  	v32 =	vld [tilespmem:s6+$0x4000]  }
0xe0: {  	v33 =	vor.u32 s22, v16;
	_ =	sdelay $0x3  }
0xe1: {  	v32 =	vadd.s32 $0x4000, v32  }
0xe2: {  	[tilespmem:v33+s13+$0x0] =	vst.idx.msk $0xffff, v32  }
0xe3: {  	v32 =	vld [tilespmem:s6+$0x4400]  }
0xe4: {  	v33 =	vor.u32 s22, v17;
	_ =	sdelay $0x3  }
0xe5: {  	v32 =	vadd.s32 $0x4400, v32  }
0xe6: {  	[tilespmem:v33+s13+$0x0] =	vst.idx.msk $0xffff, v32  }
0xe7: {  	v32 =	vld [tilespmem:s6+$0x4800]  }
0xe8: {  	v33 =	vor.u32 s22, v18;
	_ =	sdelay $0x3  }
0xe9: {  	v32 =	vadd.s32 $0x4800, v32  }
0xea: {  	[tilespmem:v33+s13+$0x0] =	vst.idx.msk $0xffff, v32  }
0xeb: {  	v32 =	vld [tilespmem:s6+$0x4C00]  }
0xec: {  	v33 =	vor.u32 s22, v19;
	_ =	sdelay $0x3  }
0xed: {  	v32 =	vadd.s32 $0x4C00, v32  }
0xee: {  	[tilespmem:v33+s13+$0x0] =	vst.idx.msk $0xffff, v32  }
0xef: {  	v32 =	vld [tilespmem:s6+$0x5000]  }
0xf0: {  	v33 =	vor.u32 s22, v20;
	_ =	sdelay $0x3  }
0xf1: {  	v32 =	vadd.s32 $0x5000, v32  }
0xf2: {  	[tilespmem:v33+s13+$0x0] =	vst.idx.msk $0xffff, v32  }
0xf3: {  	v32 =	vld [tilespmem:s6+$0x5400]  }
0xf4: {  	v33 =	vor.u32 s22, v21;
	_ =	sdelay $0x3  }
0xf5: {  	v32 =	vadd.s32 $0x5400, v32  }
0xf6: {  	[tilespmem:v33+s13+$0x0] =	vst.idx.msk $0xffff, v32  }
0xf7: {  	v32 =	vld [tilespmem:s6+$0x5800]  }
0xf8: {  	v33 =	vor.u32 s22, v22;
	_ =	sdelay $0x3  }
0xf9: {  	v32 =	vadd.s32 $0x5800, v32  }
0xfa: {  	[tilespmem:v33+s13+$0x0] =	vst.idx.msk $0xffff, v32  }
0xfb: {  	v32 =	vld [tilespmem:s6+$0x5C00]  }
0xfc: {  	v33 =	vor.u32 s22, v23;
	_ =	sdelay $0x3  }
0xfd: {  	v32 =	vadd.s32 $0x5C00, v32  }
0xfe: {  	[tilespmem:v33+s13+$0x0] =	vst.idx.msk $0xffff, v32  }
0xff: {  	v32 =	vld [tilespmem:s6+$0x6000]  }
0x100: {  	v33 =	vor.u32 s22, v24;
	_ =	sdelay $0x3  }
0x101: {  	v32 =	vadd.s32 $0x6000, v32  }
0x102: {  	[tilespmem:v33+s13+$0x0] =	vst.idx.msk $0xffff, v32  }
0x103: {  	v32 =	vld [tilespmem:s6+$0x6400]  }
0x104: {  	v33 =	vor.u32 s22, v25;
	_ =	sdelay $0x3  }
0x105: {  	v32 =	vadd.s32 $0x6400, v32  }
0x106: {  	[tilespmem:v33+s13+$0x0] =	vst.idx.msk $0xffff, v32  }
0x107: {  	v32 =	vld [tilespmem:s6+$0x6800]  }
0x108: {  	v33 =	vor.u32 s22, v26;
	_ =	sdelay $0x3  }
0x109: {  	v32 =	vadd.s32 $0x6800, v32  }
0x10a: {  	[tilespmem:v33+s13+$0x0] =	vst.idx.msk $0xffff, v32  }
0x10b: {  	v32 =	vld [tilespmem:s6+$0x6C00]  }
0x10c: {  	v33 =	vor.u32 s22, v27;
	_ =	sdelay $0x3  }
0x10d: {  	v32 =	vadd.s32 $0x6C00, v32  }
0x10e: {  	[tilespmem:v33+s13+$0x0] =	vst.idx.msk $0xffff, v32  }
0x10f: {  	v32 =	vld [tilespmem:s6+$0x7000]  }
0x110: {  	v33 =	vor.u32 s22, v28;
	_ =	sdelay $0x3  }
0x111: {  	v32 =	vadd.s32 $0x7000, v32  }
0x112: {  	[tilespmem:v33+s13+$0x0] =	vst.idx.msk $0xffff, v32  }
0x113: {  	v32 =	vld [tilespmem:s6+$0x7400]  }
0x114: {  	v33 =	vor.u32 s22, v29;
	_ =	sdelay $0x3  }
0x115: {  	v32 =	vadd.s32 $0x7400, v32  }
0x116: {  	[tilespmem:v33+s13+$0x0] =	vst.idx.msk $0xffff, v32  }
0x117: {  	v32 =	vld [tilespmem:s6+$0x7800]  }
0x118: {  	v33 =	vor.u32 s22, v30;
	_ =	sdelay $0x3  }
0x119: {  	v32 =	vadd.s32 $0x7800, v32  }
0x11a: {  	[tilespmem:v33+s13+$0x0] =	vst.idx.msk $0xffff, v32  }
0x11b: {  	v33 =	vld [tilespmem:s6+$0x7C00]  }
.Ltmp0:
0x11c: {  	v32 =	vor.u32 s22, v31;
	(pc) =	sbr.rel @p0 .LBB2_2-.Ltmp0, $2  }
0x11d: {  	_ =	sdelay $0x2  }
0x11e: {  	s7 =	smov.u32 s5;
	v33 =	vadd.s32 $0x7C00, v33  }
0x11f: {  	_ =	sdelay $0x3  }
0x120: {  	s4 =	sshra.s32 s4, $0x2;
	[tilespmem:v32+s13+$0x0] =	vst.idx.msk $0xffff, v33;
	s5 =	sadd.s32 $0x200, s22  }
0x121: {  	v60 =	vor.u32 s5, v0;
	v33 =	vld [tilespmem:s4+$0x0];
	_ =	sdelay $0x4  }
0x122: {  	[tilespmem:v60+s13+$0x0] =	vst.idx.msk $0xffff, v33  }
0x123: {  	v32 =	vld [tilespmem:s4+$0x400]  }
0x124: {  	v61 =	vor.u32 s5, v1;
	_ =	sdelay $0x3  }
0x125: {  	v32 =	vadd.s32 $0x400, v32  }
0x126: {  	[tilespmem:v61+s13+$0x0] =	vst.idx.msk $0xffff, v32  }
0x127: {  	v32 =	vld [tilespmem:s4+$0x800]  }
0x128: {  	v62 =	vor.u32 s5, v2;
	_ =	sdelay $0x3  }
0x129: {  	v32 =	vadd.s32 $0x800, v32  }
0x12a: {  	[tilespmem:v62+s13+$0x0] =	vst.idx.msk $0xffff, v32  }
0x12b: {  	v32 =	vld [tilespmem:s4+$0xC00]  }
0x12c: {  	v63 =	vor.u32 s5, v3;
	_ =	sdelay $0x3  }
0x12d: {  	v32 =	vadd.s32 $0xC00, v32  }
0x12e: {  	[tilespmem:v63+s13+$0x0] =	vst.idx.msk $0xffff, v32  }
0x12f: {  	v32 =	vld [tilespmem:s4+$0x1000]  }
0x130: {  	v36 =	vor.u32 s5, v4;
	_ =	sdelay $0x3  }
0x131: {  	v32 =	vadd.s32 $0x1000, v32  }
0x132: {  	[tilespmem:v36+s13+$0x0] =	vst.idx.msk $0xffff, v32  }
0x133: {  	v32 =	vld [tilespmem:s4+$0x1400]  }
0x134: {  	v37 =	vor.u32 s5, v5;
	_ =	sdelay $0x3  }
0x135: {  	v32 =	vadd.s32 $0x1400, v32  }
0x136: {  	[tilespmem:v37+s13+$0x0] =	vst.idx.msk $0xffff, v32  }
0x137: {  	v32 =	vld [tilespmem:s4+$0x1800]  }
0x138: {  	v38 =	vor.u32 s5, v6;
	_ =	sdelay $0x3  }
0x139: {  	v32 =	vadd.s32 $0x1800, v32  }
0x13a: {  	[tilespmem:v38+s13+$0x0] =	vst.idx.msk $0xffff, v32  }
0x13b: {  	v32 =	vld [tilespmem:s4+$0x1C00]  }
0x13c: {  	v39 =	vor.u32 s5, v7;
	_ =	sdelay $0x3  }
0x13d: {  	v32 =	vadd.s32 $0x1C00, v32  }
0x13e: {  	[tilespmem:v39+s13+$0x0] =	vst.idx.msk $0xffff, v32  }
0x13f: {  	v32 =	vld [tilespmem:s4+$0x2000]  }
0x140: {  	v40 =	vor.u32 s5, v8;
	_ =	sdelay $0x3  }
0x141: {  	v32 =	vadd.s32 $0x2000, v32  }
0x142: {  	[tilespmem:v40+s13+$0x0] =	vst.idx.msk $0xffff, v32  }
0x143: {  	v32 =	vld [tilespmem:s4+$0x2400]  }
0x144: {  	v41 =	vor.u32 s5, v9;
	_ =	sdelay $0x3  }
0x145: {  	v32 =	vadd.s32 $0x2400, v32  }
0x146: {  	[tilespmem:v41+s13+$0x0] =	vst.idx.msk $0xffff, v32  }
0x147: {  	v32 =	vld [tilespmem:s4+$0x2800]  }
0x148: {  	v42 =	vor.u32 s5, v10;
	_ =	sdelay $0x3  }
0x149: {  	v32 =	vadd.s32 $0x2800, v32  }
0x14a: {  	[tilespmem:v42+s13+$0x0] =	vst.idx.msk $0xffff, v32  }
0x14b: {  	v32 =	vld [tilespmem:s4+$0x2C00]  }
0x14c: {  	v43 =	vor.u32 s5, v11;
	_ =	sdelay $0x3  }
0x14d: {  	v32 =	vadd.s32 $0x2C00, v32  }
0x14e: {  	[tilespmem:v43+s13+$0x0] =	vst.idx.msk $0xffff, v32  }
0x14f: {  	v32 =	vld [tilespmem:s4+$0x3000]  }
0x150: {  	v44 =	vor.u32 s5, v12;
	_ =	sdelay $0x3  }
0x151: {  	v32 =	vadd.s32 $0x3000, v32  }
0x152: {  	[tilespmem:v44+s13+$0x0] =	vst.idx.msk $0xffff, v32  }
0x153: {  	v32 =	vld [tilespmem:s4+$0x3400]  }
0x154: {  	v45 =	vor.u32 s5, v13;
	_ =	sdelay $0x3  }
0x155: {  	v32 =	vadd.s32 $0x3400, v32  }
0x156: {  	[tilespmem:v45+s13+$0x0] =	vst.idx.msk $0xffff, v32  }
0x157: {  	v32 =	vld [tilespmem:s4+$0x3800]  }
0x158: {  	v46 =	vor.u32 s5, v14;
	_ =	sdelay $0x3  }
0x159: {  	v32 =	vadd.s32 $0x3800, v32  }
0x15a: {  	[tilespmem:v46+s13+$0x0] =	vst.idx.msk $0xffff, v32  }
0x15b: {  	v32 =	vld [tilespmem:s4+$0x3C00]  }
0x15c: {  	v47 =	vor.u32 s5, v15;
	_ =	sdelay $0x3  }
0x15d: {  	v32 =	vadd.s32 $0x3C00, v32  }
0x15e: {  	[tilespmem:v47+s13+$0x0] =	vst.idx.msk $0xffff, v32  }
0x15f: {  	v32 =	vld [tilespmem:s4+$0x4000]  }
0x160: {  	v48 =	vor.u32 s5, v16;
	_ =	sdelay $0x3  }
0x161: {  	v32 =	vadd.s32 $0x4000, v32  }
0x162: {  	[tilespmem:v48+s13+$0x0] =	vst.idx.msk $0xffff, v32  }
0x163: {  	v32 =	vld [tilespmem:s4+$0x4400]  }
0x164: {  	v49 =	vor.u32 s5, v17;
	_ =	sdelay $0x3  }
0x165: {  	v32 =	vadd.s32 $0x4400, v32  }
0x166: {  	[tilespmem:v49+s13+$0x0] =	vst.idx.msk $0xffff, v32  }
0x167: {  	v32 =	vld [tilespmem:s4+$0x4800]  }
0x168: {  	v50 =	vor.u32 s5, v18;
	_ =	sdelay $0x3  }
0x169: {  	v32 =	vadd.s32 $0x4800, v32  }
0x16a: {  	[tilespmem:v50+s13+$0x0] =	vst.idx.msk $0xffff, v32  }
0x16b: {  	v32 =	vld [tilespmem:s4+$0x4C00]  }
0x16c: {  	v51 =	vor.u32 s5, v19;
	_ =	sdelay $0x3  }
0x16d: {  	v32 =	vadd.s32 $0x4C00, v32  }
0x16e: {  	[tilespmem:v51+s13+$0x0] =	vst.idx.msk $0xffff, v32  }
0x16f: {  	v32 =	vld [tilespmem:s4+$0x5000]  }
0x170: {  	v52 =	vor.u32 s5, v20;
	_ =	sdelay $0x3  }
0x171: {  	v32 =	vadd.s32 $0x5000, v32  }
0x172: {  	[tilespmem:v52+s13+$0x0] =	vst.idx.msk $0xffff, v32  }
0x173: {  	v32 =	vld [tilespmem:s4+$0x5400]  }
0x174: {  	v53 =	vor.u32 s5, v21;
	_ =	sdelay $0x3  }
0x175: {  	v32 =	vadd.s32 $0x5400, v32  }
0x176: {  	[tilespmem:v53+s13+$0x0] =	vst.idx.msk $0xffff, v32  }
0x177: {  	v32 =	vld [tilespmem:s4+$0x5800]  }
0x178: {  	v54 =	vor.u32 s5, v22;
	_ =	sdelay $0x3  }
0x179: {  	v32 =	vadd.s32 $0x5800, v32  }
0x17a: {  	[tilespmem:v54+s13+$0x0] =	vst.idx.msk $0xffff, v32  }
0x17b: {  	v32 =	vld [tilespmem:s4+$0x5C00]  }
0x17c: {  	v55 =	vor.u32 s5, v23;
	_ =	sdelay $0x3  }
0x17d: {  	v32 =	vadd.s32 $0x5C00, v32  }
0x17e: {  	[tilespmem:v55+s13+$0x0] =	vst.idx.msk $0xffff, v32  }
0x17f: {  	v32 =	vld [tilespmem:s4+$0x6000]  }
0x180: {  	v56 =	vor.u32 s5, v24;
	_ =	sdelay $0x3  }
0x181: {  	v32 =	vadd.s32 $0x6000, v32  }
0x182: {  	[tilespmem:v56+s13+$0x0] =	vst.idx.msk $0xffff, v32  }
0x183: {  	v32 =	vld [tilespmem:s4+$0x6400]  }
0x184: {  	v57 =	vor.u32 s5, v25;
	_ =	sdelay $0x3  }
0x185: {  	v32 =	vadd.s32 $0x6400, v32  }
0x186: {  	[tilespmem:v57+s13+$0x0] =	vst.idx.msk $0xffff, v32  }
0x187: {  	v32 =	vld [tilespmem:s4+$0x6800]  }
0x188: {  	v58 =	vor.u32 s5, v26;
	_ =	sdelay $0x3  }
0x189: {  	v32 =	vadd.s32 $0x6800, v32  }
0x18a: {  	[tilespmem:v58+s13+$0x0] =	vst.idx.msk $0xffff, v32  }
0x18b: {  	v32 =	vld [tilespmem:s4+$0x6C00]  }
0x18c: {  	v59 =	vor.u32 s5, v27;
	_ =	sdelay $0x3  }
0x18d: {  	v32 =	vadd.s32 $0x6C00, v32  }
0x18e: {  	[tilespmem:v59+s13+$0x0] =	vst.idx.msk $0xffff, v32  }
0x18f: {  	v32 =	vld [tilespmem:s4+$0x7000]  }
0x190: {  	v60 =	vor.u32 s5, v28;
	_ =	sdelay $0x3  }
0x191: {  	v32 =	vadd.s32 $0x7000, v32  }
0x192: {  	[tilespmem:v60+s13+$0x0] =	vst.idx.msk $0xffff, v32  }
0x193: {  	v32 =	vld [tilespmem:s4+$0x7400]  }
0x194: {  	v61 =	vor.u32 s5, v29;
	_ =	sdelay $0x3  }
0x195: {  	v32 =	vadd.s32 $0x7400, v32  }
0x196: {  	[tilespmem:v61+s13+$0x0] =	vst.idx.msk $0xffff, v32  }
0x197: {  	v32 =	vld [tilespmem:s4+$0x7800]  }
0x198: {  	v62 =	vor.u32 s5, v30;
	_ =	sdelay $0x3  }
0x199: {  	v32 =	vadd.s32 $0x7800, v32  }
0x19a: {  	[tilespmem:v62+s13+$0x0] =	vst.idx.msk $0xffff, v32  }
0x19b: {  	v32 =	vld [tilespmem:s4+$0x7C00]  }
0x19c: {  	v63 =	vor.u32 s5, v31;
	_ =	sdelay $0x3  }
0x19d: {  	v32 =	vadd.s32 $0x7C00, v32  }
0x19e: {  	[tilespmem:v63+s13+$0x0] =	vst.idx.msk $0xffff, v32  }
0x19f: {  	[tilespmem:s15], [sflag:$0x1] =	stream.indirect.gather [hbm4b:s1+s14], $0x40, s13, s14, $0xb8;
	[tilespmem:$0x1C000] =	vst v63  }
0x1a0: {  	s9 =	simm.s32 $0x8080  }
0x1a1: {  	[tilespmem:s17], [sflag:$0x2] =	stream.indirect.gather [hbm4b:s1+s14], $0x40, s9, s14, $0xb8;
	[tilespmem:$0x1C000] =	vst v63  }
0x1a2: {  	s22 =	simm.s32 $0x8100;
	p0 =	por $0x1, $0x1  }
0x1a3: {  	[tilespmem:s19], [sflag:$0x3] =	stream.indirect.gather [hbm4b:s1+s14], $0x40, s22, s14, $0xb8;
	[tilespmem:$0x1C000] =	vst v63  }
0x1a4: {  	p0 =	por p0, p0;
	s5 =	simm.s32 $0x8180  }
0x1a5: {  	[tilespmem:s21], [sflag:$0x4] =	stream.indirect.gather [hbm4b:s1+s14], $0x40, s5, s14, $0xb8;
	[tilespmem:$0x1C000] =	vst v63  }
0x1a6: {  	s6 =	simm.s32 $0x8200;
	s4 =	simm.s32 @!p0 $0xC  }
0x1a7: {  	[tilespmem:s23], [sflag:$0x5] =	stream.indirect.gather [hbm4b:s1+s14], $0x40, s6, s14, $0xb8;
	[tilespmem:$0x1C000] =	vst v63  }
0x1a8: {  	_ =	swait.ge @!p0 [sflag:s4], $0x2000  }
0x1a9: {  	[sflag:s4] =	ssyncset.done @!p0 $0x0  }
0x1aa: {  	s7 =	simm.s32 $0x8280;
	[sflag:s4] =	ssyncadd.s32 @!p0 $0xFFFFE000  }
0x1ab: {  	[tilespmem:s24], [sflag:$0x6] =	stream.indirect.gather [hbm4b:s1+s14], $0x40, s7, s14, $0xb8;
	[tilespmem:$0x1C000] =	vst v63  }
0x1ac: {  	_ =	swait.ge [sflag:s25], $0x2000  }
0x1ad: {  	s8 =	rddreg [dreg:$0x7];
	[sflag:s25] =	ssyncset.done $0x0  }
0x1ae: {  	[sflag:s25] =	ssyncadd.s32 $0xFFFFE000;
	s4 =	sadd.s32 $0x0, s8  }
0x1af: {  	[hbm4b:s4+s2] =	stream.linear.scatter [tilespmem:s15], [sflag:$0x7], $0x2000, $0x38;
	[tilespmem:$0x1C000] =	vst v63  }
0x1b0: {  	_ =	swait.ge [sflag:s26], $0x2000  }
0x1b1: {  	[sflag:s26] =	ssyncset.done $0x0  }
0x1b2: {  	s9 =	simm.s32 $0x8300;
	[sflag:s26] =	ssyncadd.s32 $0xFFFFE000  }
0x1b3: {  	[tilespmem:s15], [sflag:$0x1] =	stream.indirect.gather [hbm4b:s1+s14], $0x40, s9, s14, $0xb8;
	[tilespmem:$0x1C000] =	vst v63  }
0x1b4: {  	_ =	swait.ge [sflag:s28], $0x2000  }
0x1b5: {  	s22 =	rddreg [dreg:$0x6];
	[sflag:s28] =	ssyncset.done $0x0  }
0x1b6: {  	[sflag:s28] =	ssyncadd.s32 $0xFFFFE000;
	s4 =	sadd.s32 $0x0, s22  }
0x1b7: {  	[hbm4b:s4+s2] =	stream.linear.scatter [tilespmem:s17], [sflag:$0x8], $0x2000, $0x38;
	[tilespmem:$0x1C000] =	vst v63  }
0x1b8: {  	_ =	swait.ge [sflag:s29], $0x2000  }
0x1b9: {  	[sflag:s29] =	ssyncset.done $0x0  }
0x1ba: {  	s5 =	simm.s32 $0x8380;
	[sflag:s29] =	ssyncadd.s32 $0xFFFFE000  }
0x1bb: {  	[tilespmem:s17], [sflag:$0x2] =	stream.indirect.gather [hbm4b:s1+s14], $0x40, s5, s14, $0xb8;
	[tilespmem:$0x1C000] =	vst v63  }
0x1bc: {  	_ =	swait.ge [sflag:s30], $0x2000  }
0x1bd: {  	s6 =	rddreg [dreg:$0x5];
	[sflag:s30] =	ssyncset.done $0x0  }
0x1be: {  	[sflag:s30] =	ssyncadd.s32 $0xFFFFE000;
	s4 =	sadd.s32 $0x0, s6  }
0x1bf: {  	[hbm4b:s4+s2] =	stream.linear.scatter [tilespmem:s19], [sflag:$0x9], $0x2000, $0x38;
	[tilespmem:$0x1C000] =	vst v63  }
0x1c0: {  	_ =	swait.ge [sflag:s31], $0x2000  }
0x1c1: {  	[sflag:s31] =	ssyncset.done $0x0  }
0x1c2: {  	s7 =	simm.s32 $0x8400;
	[sflag:s31] =	ssyncadd.s32 $0xFFFFE000  }
0x1c3: {  	[tilespmem:s19], [sflag:$0x3] =	stream.indirect.gather [hbm4b:s1+s14], $0x40, s7, s14, $0xb8;
	[tilespmem:$0x1C000] =	vst v63  }
0x1c4: {  	_ =	swait.ge [sflag:s0], $0x2000  }
0x1c5: {  	s8 =	rddreg [dreg:$0x4];
	[sflag:s0] =	ssyncset.done $0x0  }
0x1c6: {  	[sflag:s0] =	ssyncadd.s32 $0xFFFFE000;
	s4 =	sadd.s32 $0x0, s8  }
0x1c7: {  	[hbm4b:s4+s2] =	stream.linear.scatter [tilespmem:s21], [sflag:$0xA], $0x2000, $0x38;
	[tilespmem:$0x1C000] =	vst v63  }
0x1c8: {  	_ =	swait.ge [sflag:s3], $0x2000  }
0x1c9: {  	[sflag:s3] =	ssyncset.done $0x0  }
0x1ca: {  	s9 =	simm.s32 $0x8480;
	[sflag:s3] =	ssyncadd.s32 $0xFFFFE000  }
0x1cb: {  	[tilespmem:s21], [sflag:$0x4] =	stream.indirect.gather [hbm4b:s1+s14], $0x40, s9, s14, $0xb8;
	[tilespmem:$0x1C000] =	vst v63  }
0x1cc: {  	_ =	swait.ge [sflag:s10], $0x2000  }
0x1cd: {  	s22 =	rddreg [dreg:$0x3];
	[sflag:s10] =	ssyncset.done $0x0  }
0x1ce: {  	[sflag:s10] =	ssyncadd.s32 $0xFFFFE000;
	s4 =	sadd.s32 $0x0, s22  }
0x1cf: {  	[hbm4b:s4+s2] =	stream.linear.scatter [tilespmem:s23], [sflag:$0xB], $0x2000, $0x38;
	[tilespmem:$0x1C000] =	vst v63  }
0x1d0: {  	p0 =	por $0x0, $0x0;
	_ =	swait.ge [sflag:s11], $0x2000  }
0x1d1: {  	p6 =	por $0x0, $0x0;
	s5 =	simm.s32 @!p0 $0x80;
	[sflag:s11] =	ssyncset.done $0x0  }
0x1d2: {  	s7 =	simm.s32 @!p0 $0x18000;
	s4 =	simm.s32 @!p0 $0x8500;
	[sflag:s11] =	ssyncadd.s32 $0xFFFFE000  }
0x1d3: {  	[tilespmem:s7], [sflag:$0x5] =	stream.indirect.gather @!p0 [hbm4b:s1+s5], $0x40, s4, s5, $0xb8;
	[tilespmem:$0x1C000] =	vst v63  }
0x1d4: {  	s6 =	simm.s32 $0x0;
	s22 =	simm.s32 $0x3000;
	_ =	swait.ge [sflag:s16], $0x2000  }
0x1d5: {  	s4 =	simm.s32 $0x1800;
	p0 =	por p6, p6;
	[sflag:s16] =	ssyncset.done $0x0  }
0x1d6: {  	s5 =	simm.s32 $0x8580;
	s7 =	rddreg [dreg:$0x8];
	[sflag:s16] =	ssyncadd.s32 $0xFFFFE000  }
.LBB2_4:
0x1d7: {  	s8 =	simm.s32 @!p0 $0xC;
	s7 =	sadd.s32 s6, s7  }
0x1d8: {  	[hbm4b:s7+s2] =	stream.linear.scatter [tilespmem:s24], [sflag:$0xC], $0x2000, $0x38;
	[tilespmem:$0x1C000] =	vst v63  }
0x1d9: {  	_ =	swait.ge @!p0 [sflag:s8], $0x2000  }
0x1da: {  	[sflag:s8] =	ssyncset.done @!p0 $0x0  }
0x1db: {  	[sflag:s8] =	ssyncadd.s32 @!p0 $0xFFFFE000  }
0x1dc: {  	[tilespmem:s24], [sflag:$0x6] =	stream.indirect.gather [hbm4b:s1+s14], $0x40, s5, s14, $0xb8;
	[tilespmem:$0x1C000] =	vst v63  }
0x1dd: {  	_ =	swait.ge [sflag:s25], $0x2000  }
0x1de: {  	s6 =	smov.u32 s4;
	s9 =	rddreg [dreg:$0x7];
	[sflag:s25] =	ssyncset.done $0x0  }
0x1df: {  	[sflag:s25] =	ssyncadd.s32 $0xFFFFE000;
	s7 =	sadd.s32 s6, s9  }
0x1e0: {  	[hbm4b:s7+s2] =	stream.linear.scatter [tilespmem:s15], [sflag:$0x7], $0x2000, $0x38;
	[tilespmem:$0x1C000] =	vst v63  }
0x1e1: {  	_ =	swait.ge [sflag:s26], $0x2000  }
0x1e2: {  	[sflag:s26] =	ssyncset.done $0x0  }
0x1e3: {  	s8 =	sadd.s32 $0x80, s5;
	[sflag:s26] =	ssyncadd.s32 $0xFFFFE000  }
0x1e4: {  	[tilespmem:s15], [sflag:$0x1] =	stream.indirect.gather [hbm4b:s1+s14], $0x40, s8, s14, $0xb8;
	[tilespmem:$0x1C000] =	vst v63  }
0x1e5: {  	_ =	swait.ge [sflag:s28], $0x2000  }
0x1e6: {  	s9 =	rddreg [dreg:$0x6];
	[sflag:s28] =	ssyncset.done $0x0  }
0x1e7: {  	[sflag:s28] =	ssyncadd.s32 $0xFFFFE000;
	s7 =	sadd.s32 s6, s9  }
0x1e8: {  	[hbm4b:s7+s2] =	stream.linear.scatter [tilespmem:s17], [sflag:$0x8], $0x2000, $0x38;
	[tilespmem:$0x1C000] =	vst v63  }
0x1e9: {  	_ =	swait.ge [sflag:s29], $0x2000  }
0x1ea: {  	[sflag:s29] =	ssyncset.done $0x0  }
0x1eb: {  	s8 =	sadd.s32 $0x100, s5;
	[sflag:s29] =	ssyncadd.s32 $0xFFFFE000  }
0x1ec: {  	[tilespmem:s17], [sflag:$0x2] =	stream.indirect.gather [hbm4b:s1+s14], $0x40, s8, s14, $0xb8;
	[tilespmem:$0x1C000] =	vst v63  }
0x1ed: {  	_ =	swait.ge [sflag:s30], $0x2000  }
0x1ee: {  	s9 =	rddreg [dreg:$0x5];
	[sflag:s30] =	ssyncset.done $0x0  }
0x1ef: {  	[sflag:s30] =	ssyncadd.s32 $0xFFFFE000;
	s7 =	sadd.s32 s6, s9  }
0x1f0: {  	[hbm4b:s7+s2] =	stream.linear.scatter [tilespmem:s19], [sflag:$0x9], $0x2000, $0x38;
	[tilespmem:$0x1C000] =	vst v63  }
0x1f1: {  	_ =	swait.ge [sflag:s31], $0x2000  }
0x1f2: {  	[sflag:s31] =	ssyncset.done $0x0  }
0x1f3: {  	s8 =	sadd.s32 $0x180, s5;
	[sflag:s31] =	ssyncadd.s32 $0xFFFFE000  }
0x1f4: {  	[tilespmem:s19], [sflag:$0x3] =	stream.indirect.gather [hbm4b:s1+s14], $0x40, s8, s14, $0xb8;
	[tilespmem:$0x1C000] =	vst v63  }
0x1f5: {  	_ =	swait.ge [sflag:s0], $0x2000  }
0x1f6: {  	s9 =	rddreg [dreg:$0x4];
	[sflag:s0] =	ssyncset.done $0x0  }
0x1f7: {  	[sflag:s0] =	ssyncadd.s32 $0xFFFFE000;
	s7 =	sadd.s32 s6, s9  }
0x1f8: {  	[hbm4b:s7+s2] =	stream.linear.scatter [tilespmem:s21], [sflag:$0xA], $0x2000, $0x38;
	[tilespmem:$0x1C000] =	vst v63  }
0x1f9: {  	_ =	swait.ge [sflag:s3], $0x2000  }
0x1fa: {  	[sflag:s3] =	ssyncset.done $0x0  }
0x1fb: {  	s8 =	sadd.s32 $0x200, s5;
	[sflag:s3] =	ssyncadd.s32 $0xFFFFE000  }
0x1fc: {  	[tilespmem:s21], [sflag:$0x4] =	stream.indirect.gather [hbm4b:s1+s14], $0x40, s8, s14, $0xb8;
	[tilespmem:$0x1C000] =	vst v63  }
0x1fd: {  	p2 =	seq.s32 s22, $0x0;
	s4 =	smov.u32 s22;
	_ =	swait.ge [sflag:s10], $0x2000  }
0x1fe: {  	s22 =	sadd.s32 $0x1800, s22;
	s9 =	rddreg [dreg:$0x3];
	[sflag:s10] =	ssyncset.done $0x0  }
0x1ff: {  	p1 =	sne.s32 s22, $0x3F000;
	[sflag:s10] =	ssyncadd.s32 $0xFFFFE000;
	s7 =	sadd.s32 s6, s9  }
0x200: {  	[hbm4b:s7+s2] =	stream.linear.scatter [tilespmem:s23], [sflag:$0xB], $0x2000, $0x38;
	[tilespmem:$0x1C000] =	vst v63  }
0x201: {  	p0 =	por p2, p2;
	p2 =	seq.s32 s6, $0x3D800;
	_ =	swait.ge [sflag:s11], $0x2000  }
0x202: {  	s8 =	simm.s32 @!p2 $0x80;
	s9 =	simm.s32 @!p2 $0x18000;
	[sflag:s11] =	ssyncset.done $0x0  }
.Ltmp1:
0x203: {  	s7 =	sadd.s32 @!p2 $0x280, s5;
	[sflag:s11] =	ssyncadd.s32 $0xFFFFE000;
	(pc) =	sbr.rel @p1 .LBB2_4-.Ltmp1, $4  }
0x204: {  	[tilespmem:s9], [sflag:$0x5] =	stream.indirect.gather @!p2 [hbm4b:s1+s8], $0x40, s7, s8, $0xb8;
	[tilespmem:$0x1C000] =	vst v63  }
0x205: {  	_ =	swait.ge [sflag:s16], $0x2000  }
0x206: {  	[sflag:s16] =	ssyncset.done $0x0  }
0x207: {  	s5 =	sadd.s32 $0x300, s5;
	s7 =	rddreg [dreg:$0x8];
	[sflag:s16] =	ssyncadd.s32 $0xFFFFE000  }
0x208: {  	s6 =	sadd.s32 s6, s7;
	s7 =	simm.s32 @!p0 $0xC  }
0x209: {  	[hbm4b:s6+s2] =	stream.linear.scatter [tilespmem:s24], [sflag:$0xC], $0x2000, $0x38;
	[tilespmem:$0x1C000] =	vst v63  }
0x20a: {  	_ =	swait.ge @!p0 [sflag:s7], $0x2000  }
0x20b: {  	[sflag:s7] =	ssyncset.done @!p0 $0x0  }
0x20c: {  	[sflag:s7] =	ssyncadd.s32 @!p0 $0xFFFFE000  }
0x20d: {  	[tilespmem:s24], [sflag:$0x6] =	stream.indirect.gather [hbm4b:s1+s14], $0x40, s5, s14, $0xb8;
	[tilespmem:$0x1C000] =	vst v63  }
0x20e: {  	_ =	swait.ge [sflag:s25], $0x2000  }
0x20f: {  	s9 =	rddreg [dreg:$0x7];
	[sflag:s25] =	ssyncset.done $0x0  }
0x210: {  	[sflag:s25] =	ssyncadd.s32 $0xFFFFE000;
	s6 =	sadd.s32 s4, s9  }
0x211: {  	[hbm4b:s6+s2] =	stream.linear.scatter [tilespmem:s15], [sflag:$0x7], $0x2000, $0x38;
	[tilespmem:$0x1C000] =	vst v63  }
0x212: {  	_ =	swait.ge [sflag:s26], $0x2000  }
0x213: {  	[sflag:s26] =	ssyncset.done $0x0  }
0x214: {  	s22 =	sadd.s32 $0x80, s5;
	[sflag:s26] =	ssyncadd.s32 $0xFFFFE000  }
0x215: {  	[tilespmem:s15], [sflag:$0x1] =	stream.indirect.gather [hbm4b:s1+s14], $0x40, s22, s14, $0xb8;
	[tilespmem:$0x1C000] =	vst v63  }
0x216: {  	_ =	swait.ge [sflag:s28], $0x2000  }
0x217: {  	s7 =	rddreg [dreg:$0x6];
	[sflag:s28] =	ssyncset.done $0x0  }
0x218: {  	[sflag:s28] =	ssyncadd.s32 $0xFFFFE000;
	s6 =	sadd.s32 s4, s7  }
0x219: {  	[hbm4b:s6+s2] =	stream.linear.scatter [tilespmem:s17], [sflag:$0x8], $0x2000, $0x38;
	[tilespmem:$0x1C000] =	vst v63  }
0x21a: {  	_ =	swait.ge [sflag:s29], $0x2000  }
0x21b: {  	[sflag:s29] =	ssyncset.done $0x0  }
0x21c: {  	s8 =	sadd.s32 $0x100, s5;
	[sflag:s29] =	ssyncadd.s32 $0xFFFFE000  }
0x21d: {  	[tilespmem:s17], [sflag:$0x2] =	stream.indirect.gather [hbm4b:s1+s14], $0x40, s8, s14, $0xb8;
	[tilespmem:$0x1C000] =	vst v63  }
0x21e: {  	_ =	swait.ge [sflag:s30], $0x2000  }
0x21f: {  	s9 =	rddreg [dreg:$0x5];
	[sflag:s30] =	ssyncset.done $0x0  }
0x220: {  	[sflag:s30] =	ssyncadd.s32 $0xFFFFE000;
	s6 =	sadd.s32 s4, s9  }
0x221: {  	[hbm4b:s6+s2] =	stream.linear.scatter [tilespmem:s19], [sflag:$0x9], $0x2000, $0x38;
	[tilespmem:$0x1C000] =	vst v63  }
0x222: {  	_ =	swait.ge [sflag:s31], $0x2000  }
0x223: {  	[sflag:s31] =	ssyncset.done $0x0  }
0x224: {  	s22 =	sadd.s32 $0x180, s5;
	[sflag:s31] =	ssyncadd.s32 $0xFFFFE000  }
0x225: {  	[tilespmem:s19], [sflag:$0x3] =	stream.indirect.gather [hbm4b:s1+s14], $0x40, s22, s14, $0xb8;
	[tilespmem:$0x1C000] =	vst v63  }
0x226: {  	_ =	swait.ge [sflag:s0], $0x2000  }
0x227: {  	s7 =	rddreg [dreg:$0x4];
	[sflag:s0] =	ssyncset.done $0x0  }
0x228: {  	[sflag:s0] =	ssyncadd.s32 $0xFFFFE000;
	s6 =	sadd.s32 s4, s7  }
0x229: {  	[hbm4b:s6+s2] =	stream.linear.scatter [tilespmem:s21], [sflag:$0xA], $0x2000, $0x38;
	[tilespmem:$0x1C000] =	vst v63  }
0x22a: {  	_ =	swait.ge [sflag:s3], $0x2000  }
0x22b: {  	[sflag:s3] =	ssyncset.done $0x0  }
0x22c: {  	s8 =	sadd.s32 $0x200, s5;
	[sflag:s3] =	ssyncadd.s32 $0xFFFFE000  }
0x22d: {  	[tilespmem:s21], [sflag:$0x4] =	stream.indirect.gather [hbm4b:s1+s14], $0x40, s8, s14, $0xb8;
	[tilespmem:$0x1C000] =	vst v63  }
0x22e: {  	_ =	swait.ge [sflag:s10], $0x2000  }
0x22f: {  	s9 =	rddreg [dreg:$0x3];
	[sflag:s10] =	ssyncset.done $0x0  }
0x230: {  	[sflag:s10] =	ssyncadd.s32 $0xFFFFE000;
	s6 =	sadd.s32 s4, s9  }
0x231: {  	[hbm4b:s6+s2] =	stream.linear.scatter [tilespmem:s23], [sflag:$0xB], $0x2000, $0x38;
	[tilespmem:$0x1C000] =	vst v63  }
0x232: {  	p0 =	seq.s32 s4, $0x3D800;
	_ =	swait.ge [sflag:s11], $0x2000  }
0x233: {  	s5 =	sadd.s32 @!p0 $0x280, s5;
	[sflag:s11] =	ssyncset.done $0x0  }
0x234: {  	s7 =	simm.s32 @!p0 $0x18000;
	s6 =	simm.s32 @!p0 $0x80;
	[sflag:s11] =	ssyncadd.s32 $0xFFFFE000  }
0x235: {  	[tilespmem:s7], [sflag:$0x5] =	stream.indirect.gather @!p0 [hbm4b:s1+s6], $0x40, s5, s6, $0xb8;
	[tilespmem:$0x1C000] =	vst v63  }
0x236: {  	_ =	swait.ge [sflag:s16], $0x2000  }
0x237: {  	s22 =	rddreg [dreg:$0x8];
	[sflag:s16] =	ssyncset.done $0x0  }
0x238: {  	s5 =	sadd.s32 s4, s22;
	[sflag:s16] =	ssyncadd.s32 $0xFFFFE000  }
0x239: {  	[hbm4b:s5+s2] =	stream.linear.scatter [tilespmem:s24], [sflag:$0xC], $0x2000, $0x38;
	[tilespmem:$0x1C000] =	vst v63  }
0x23a: {  	_ =	swait.ge [sflag:s18], $0x2000  }
0x23b: {  	[sflag:s18] =	ssyncset.done $0x0  }
0x23c: {  	[sflag:s18] =	ssyncadd.s32 $0xFFFFE000  }
0x23d: {  	_ =	swait.ge [sflag:s25], $0x2000  }
0x23e: {  	[sflag:s25] =	ssyncset.done $0x0  }
0x23f: {  	s6 =	rddreg [dreg:$0xa];
	[sflag:s25] =	ssyncadd.s32 $0xFFFFE000  }
0x240: {  	[hbm4b:s6+s2] =	stream.linear.scatter [tilespmem:s15], [sflag:$0x7], $0x2000, $0x38;
	[tilespmem:$0x1C000] =	vst v63  }
0x241: {  	_ =	swait.ge [sflag:s26], $0x2000  }
0x242: {  	[sflag:s26] =	ssyncset.done $0x0  }
0x243: {  	[sflag:s26] =	ssyncadd.s32 $0xFFFFE000  }
0x244: {  	_ =	swait.ge [sflag:s28], $0x2000  }
0x245: {  	[sflag:s28] =	ssyncset.done $0x0  }
0x246: {  	s7 =	rddreg [dreg:$0xb];
	[sflag:s28] =	ssyncadd.s32 $0xFFFFE000  }
0x247: {  	[hbm4b:s7+s2] =	stream.linear.scatter [tilespmem:s17], [sflag:$0x8], $0x2000, $0x38;
	[tilespmem:$0x1C000] =	vst v63  }
0x248: {  	_ =	swait.ge [sflag:s29], $0x2000  }
0x249: {  	[sflag:s29] =	ssyncset.done $0x0  }
0x24a: {  	[sflag:s29] =	ssyncadd.s32 $0xFFFFE000  }
0x24b: {  	_ =	swait.ge [sflag:s30], $0x2000  }
0x24c: {  	[sflag:s30] =	ssyncset.done $0x0  }
0x24d: {  	s8 =	rddreg [dreg:$0xc];
	[sflag:s30] =	ssyncadd.s32 $0xFFFFE000  }
0x24e: {  	[hbm4b:s8+s2] =	stream.linear.scatter [tilespmem:s19], [sflag:$0x9], $0x2000, $0x38;
	[tilespmem:$0x1C000] =	vst v63  }
0x24f: {  	_ =	swait.ge [sflag:s31], $0x2000  }
0x250: {  	[sflag:s31] =	ssyncset.done $0x0  }
0x251: {  	[sflag:s31] =	ssyncadd.s32 $0xFFFFE000  }
0x252: {  	_ =	swait.ge [sflag:s0], $0x2000  }
0x253: {  	[sflag:s0] =	ssyncset.done $0x0  }
0x254: {  	s9 =	rddreg [dreg:$0xd];
	[sflag:s0] =	ssyncadd.s32 $0xFFFFE000  }
0x255: {  	[hbm4b:s9+s2] =	stream.linear.scatter [tilespmem:s21], [sflag:$0xA], $0x2000, $0x38;
	[tilespmem:$0x1C000] =	vst v63  }
0x256: {  	_ =	swait.ge [sflag:s3], $0x2000  }
0x257: {  	s20 =	sadd.s32 $0x1, s20;
	s22 =	rddreg [dreg:$0xe]  }
0x258: {  	p0 =	sne.s32 s20, s22  }
.Ltmp2:
0x259: {  	_ = 	snop;
	(pc) =	sbr.rel @p0 .LBB2_1-.Ltmp2, $3  }
0x25a: {  	_ =	sdelay $0x1  }
0x25b: {  	[sflag:s3] =	ssyncset.done $0x0  }
0x25c: {  	[sflag:s3] =	ssyncadd.s32 $0xFFFFE000  }
0x25d: {  	_ =	sfence.sel $0x180000  }
0x25e: {  	[bflag:$0x0] =	sbarrier.arrive $0xFFFF  }
0x25f: {  	_ =	strace $0x90000047  }
0x260: {  	s0 =	stileid.u32;
	[bflag:$0x2] =	sbarrier.arrive $0xFFFF  }
0x261: {  	p0 =	sne.s32 s0, $0x0;
	s0 =	rddreg [dreg:$0x2]  }
0x262: {  	s0 =	sadd.s32 @!p0 $0x100000, s0  }
0x263: {  	[sflag:s0] =	ssyncadd.tile.s32 @!p0 $0x1;
	_ =	shalt  }
.Lfunc_end2:
_tile_overlayer_lowered:
.L_overlay_start_2:
0x264: {  	(tag) =	ssettag $0x2  }
0x265: {  	s0 =	rddreg [dreg:$0x0];
	s2 =	stileid.u32  }
0x266: {  	s1 =	rddreg [dreg:$0x1];
	p0 =	sne.s32 s2, $0x0  }
0x267: {  	s3 =	rddreg [dreg:$0x2];
	[bflag:$0x3] =	sbarrier.arrive $0xFFFF;
	s2 =	simm.s32 @!p0 $0x1C0D  }
0x268: {  	[timem:s3], [sflag:s2] =	dma.local @!p0 [hbm:s0], s1  }
0x269: {  	s0 =	simm.s32 @!p0 $0xD  }
0x26a: {  	_ =	swait.ge @!p0 [sflag:s0], s1  }
0x26b: {  	s1 =	ssub.s32 @!p0 $0x0, s1;
	[sflag:s0] =	ssyncset.done @!p0 $0x0  }
0x26c: {  	[sflag:s0] =	ssyncadd.s32 @!p0 s1  }
0x26d: {  	[bflag:$0x3] =	sbarrier.arrive $0xFFFF  }
0x26e: {  	_ =	shalt  }

</sc_bundles>
